<compile_context>
chip_gen: v7x
topology: tpu7x:2x2x1
jax: 0.10.2.dev20260603
libtpu: 0.0.44.dev20260713+nightly
codegen_flags: <defaults>
</compile_context>

<pallas_src>
import jax
import jax.numpy as jnp
from jax import lax
from jax.experimental import pallas as pl
from jax.experimental.pallas import tpu as pltpu
from jax.experimental.pallas import tpu_sc as plsc
from jax._src.pallas import mpmd as _mpmd

B = 16384
NCAT = 26
CATSZ = 100
NCONT = 13
D = NCAT * CATSZ + NCONT
PT = 2616



def _finish_body(pad_ref, xt_ref, med_ref, fac_ref, out_ref):
    i = pl.program_id(0)
    v = pad_ref[...].reshape(8, B)
    xt = xt_ref[...].reshape(8, B)
    med = med_ref[...].reshape(8, B)
    fac = fac_ref[...].reshape(8, B)
    xs = fac * (xt - med)
    y = xs / jnp.sqrt(1.0 + (xs * (1.0 / 3.0)) ** 2)
    row = i * 8 + lax.broadcasted_iota(jnp.int32, (8, B), 0)
    out_ref[...] = jnp.where(
        (row >= NCAT * CATSZ) & (row < D), y, v
    )


_finish_call = pl.pallas_call(
    _finish_body,
    grid=(PT // 8,),
    in_specs=[
        pl.BlockSpec((8 * B,), lambda i: (i,)),
        pl.BlockSpec((8 * B,), lambda i: jnp.maximum(i - 325, 0)),
        pl.BlockSpec((8 * B,), lambda i: jnp.maximum(i - 325, 0)),
        pl.BlockSpec((8 * B,), lambda i: jnp.maximum(i - 325, 0)),
    ],
    out_specs=pl.BlockSpec((8, B), lambda i: (i, 0)),
    out_shape=jax.ShapeDtypeStruct((D, B), jnp.float32),
)


_NW = 32
_RPW = B // _NW
_WPW = _RPW * NCAT
_IDXROWS = _WPW // 128

_sc_mesh = plsc.VectorSubcoreMesh(core_axis_name="c", subcore_axis_name="s")


def _sc_body(zin_hbm, cat_hbm, out_hbm, cat_v, idx_v, ones_v, sem):
    del zin_hbm
    wid = lax.axis_index("s") * 2 + lax.axis_index("c")
    row0 = wid * _RPW
    pltpu.sync_copy(cat_hbm.at[pl.ds(row0 * NCAT, _WPW)], cat_v)

    lane = lax.iota(jnp.int32, 16)
    lane_cb = lane * (CATSZ * B)
    one16 = jnp.full((16,), 1.0, jnp.float32)
    c_coeff = 1 - NCAT * CATSZ * B

    def fill(g, qr):
        q, r = qr
        for b in range(8):
            cat = cat_v[pl.ds(g * 128 + b * 16, 16)]
            cterm = jnp.where(lane >= 26 - r, c_coeff, 0)
            scalar = CATSZ * B * r + row0 + q
            idx_v[pl.ds(g * 128 + b * 16, 16)] = lane_cb + cat * B + cterm + scalar
            ones_v[pl.ds(g * 128 + b * 16, 16)] = one16
            wrap = r + 16 >= 26
            q = q + jnp.where(wrap, 1, 0)
            r = r + jnp.where(wrap, 16 - 26, 16)
        return (q, r)

    lax.fori_loop(0, _IDXROWS, fill, (jnp.int32(0), jnp.int32(0)))

    pltpu.async_copy(ones_v, out_hbm.at[idx_v], sem).wait()


_sc_scatter = _mpmd._mpmd_map(
    [(_sc_mesh, _sc_body)],
    out_types=jax.ShapeDtypeStruct((PT * B,), jnp.float32),
    input_output_aliases={0: 0},
    scratch_types=[
        pltpu.VMEM((_WPW,), jnp.int32),
        pltpu.VMEM((_WPW,), jnp.int32),
        pltpu.VMEM((_WPW,), jnp.float32),
        pltpu.SemaphoreType.DMA,
    ],
)


def kernel(x_cat, x_cont, median, factors):
    cat_flat = x_cat.astype(jnp.int32).reshape(-1)
    zeros_flat = jnp.zeros((PT * B,), jnp.float32)
    pad_flat = _sc_scatter(zeros_flat, cat_flat)
    xt_flat = x_cont.astype(jnp.float32).T.reshape(-1)
    med_flat = jnp.broadcast_to(
        median.astype(jnp.float32)[:, None], (NCONT, B)
    ).reshape(-1)
    fac_flat = jnp.broadcast_to(
        factors.astype(jnp.float32)[:, None], (NCONT, B)
    ).reshape(-1)
    out_t = _finish_call(pad_flat, xt_flat, med_flat, fac_flat)
    return out_t.T

# --- scband reference (transcript-rebuilt; emitter-appended) ---
"""Pipeline reference for scband-real-mlppreprocessing-18064632447408 (READ-ONLY COPY).

The authoritative reference and input builder live on the scoring server;
editing this copy changes nothing except your own understanding.
"""

import jax, jax.numpy as jnp
import numpy as np

CAT_DIMS = [100] * 26
N_CONT = 13
BATCH = 16384


def _make_scaler_params():
    median = jnp.zeros((N_CONT,), dtype=jnp.float32)
    q25 = -jnp.ones((N_CONT,), dtype=jnp.float32)
    q75 = jnp.ones((N_CONT,), dtype=jnp.float32)
    tmin = -5.0 * jnp.ones((N_CONT,), dtype=jnp.float32)
    tmax = 5.0 * jnp.ones((N_CONT,), dtype=jnp.float32)
    quant_diff = q75 - q25
    idxs = quant_diff == 0.0
    quant_diff = jnp.where(idxs, 0.5 * (tmax - tmin), quant_diff)
    factors = 1.0 / (quant_diff + 1e-30)
    factors = jnp.where(quant_diff == 0.0, 0.0, factors)
    return median, factors


def setup_inputs(seed: int = 0) -> dict:
    key = jax.random.key(seed)
    k1, k2 = jax.random.split(key)
    x_cat = jax.random.randint(k1, (BATCH, 26), 0, 100)
    x_cont = jax.random.normal(k2, (BATCH, N_CONT), dtype=jnp.float32)
    median, factors = _make_scaler_params()
    return {"x_cat": x_cat, "x_cont": x_cont, "median": median, "factors": factors}


def reference(x_cat, x_cont, median, factors):
    # RobustScaleSmoothClipTransform on continuous features
    x_scaled = factors[None, :] * (x_cont - median[None, :])
    x_cont_t = x_scaled / jnp.sqrt(1.0 + (x_scaled / 3.0) ** 2)

    # CustomOneHotEncoder on categorical features
    n_samples = x_cat.shape[0]
    rows = jnp.arange(n_samples)
    out_arrs = []
    for i, cat_size in enumerate(CAT_DIMS):
        column = x_cat[:, i]
        if jnp.issubdtype(column.dtype, jnp.floating):
            isnan = jnp.isnan(column)
        else:
            isnan = jnp.zeros(column.shape, dtype=bool)
        column = jnp.where(isnan, jnp.zeros_like(column), column)
        column = column.astype(jnp.int32)
        valid_mask = ~isnan
        out_arr = jnp.zeros((n_samples, cat_size), dtype=jnp.float32)
        out_arr = out_arr.at[rows, column].set(valid_mask.astype(jnp.float32))
        if cat_size == 2:
            out_arr = out_arr[:, 0:1] - out_arr[:, 1:2]
        out_arrs.append(out_arr)
    x_cat_oh = jnp.concatenate(out_arrs, axis=-1)

    return jnp.concatenate([x_cat_oh, x_cont_t], axis=1)

if __name__ == "__main__":
    import jax
    _d = setup_inputs()
    print(jax.jit(kernel)(*tuple(_d.values())))

</pallas_src>

<mosaic_0001>
#map = affine_map<(d0, d1) -> (0)>
module attributes {stable_mosaic.version = 14 : i64} {
  func.func @_sc_body(%arg0: i32, %arg1: i32, %arg2: memref<42860544xf32, #tpu.memory_space<hbm>>, %arg3: memref<425984xi32, #tpu.memory_space<hbm>>, %arg4: memref<42860544xf32, #tpu.memory_space<hbm>>, %arg5: memref<13312xi32, #tpu.memory_space<vmem>>, %arg6: memref<13312xi32, #tpu.memory_space<vmem>>, %arg7: memref<13312xf32, #tpu.memory_space<vmem>>, %arg8: memref<!tpu.dma_semaphore, #tpu.memory_space<semaphore_mem>>) attributes {dimension_semantics = [#tpu.dimension_semantics<core_parallel>, #tpu.dimension_semantics<subcore_parallel>], iteration_bounds = array<i64: 2, 16>, scalar_prefetch = 0 : i64, scratch_operands = 4 : i64, tpu.core_type = #tpu.core_type<sc_vector_subcore>, window_params = [{transform_indices = #map}, {transform_indices = #map}, {transform_indices = #map}]} {
    %mul3A = arith.constant 2 : i32
    %mul3A_0 = arith.muli %arg1, %mul3A : i32
    %add3A = arith.addi %mul3A_0, %arg0 : i32
    %mul3A_1 = arith.constant 512 : i32
    %mul3A_2 = arith.muli %add3A, %mul3A_1 : i32
    %mul3A_3 = arith.constant 26 : i32
    %mul3A_4 = arith.muli %mul3A_2, %mul3A_3 : i32
    "tpu.region"() ({
      %run_scoped3A = tpu.sem_alloc : memref<!tpu.dma_semaphore, #tpu.memory_space<semaphore_mem>>
      %dma_start3A_18 = tpu.memref_slice %arg3[%mul3A_4] : memref<425984xi32, #tpu.memory_space<hbm>> -> memref<13312xi32, #tpu.memory_space<hbm>>
      %dma_start3A_19 = tpu.memref_slice %arg3[%mul3A_4] : memref<425984xi32, #tpu.memory_space<hbm>> -> memref<13312xi32, #tpu.memory_space<hbm>>
      tpu.enqueue_dma source(%dma_start3A_19 : memref<13312xi32, #tpu.memory_space<hbm>>) target(%arg5 : memref<13312xi32, #tpu.memory_space<vmem>>) target_semaphore(%run_scoped3A : memref<!tpu.dma_semaphore, #tpu.memory_space<semaphore_mem>>)
      %dma_wait3A_20 = tpu.memref_slice %arg3[%mul3A_4] : memref<425984xi32, #tpu.memory_space<hbm>> -> memref<13312xi32, #tpu.memory_space<hbm>>
      %dma_wait3A_21 = tpu.memref_slice %arg3[%mul3A_4] : memref<425984xi32, #tpu.memory_space<hbm>> -> memref<13312xi32, #tpu.memory_space<hbm>>
      tpu.wait_dma2 semaphore(%run_scoped3A : memref<!tpu.dma_semaphore, #tpu.memory_space<semaphore_mem>>) src(%dma_wait3A_21 : memref<13312xi32, #tpu.memory_space<hbm>>) dst(%arg5 : memref<13312xi32, #tpu.memory_space<vmem>>)
      tpu.yield
    }) : () -> ()
    %iota3A = tpu.iota {dimensions = array<i32: 0>} : vector<16xi32>
    %mul3A_5 = arith.constant 1638400 : i32
    %mul3A_6 = vector.broadcast %mul3A_5 : i32 to vector<16xi32>
    %mul3A_7 = arith.muli %iota3A, %mul3A_6 : vector<16xi32>
    %broadcast_in_dim3A = arith.constant 1.000000e+00 : f32
    %broadcast_in_dim3A_8 = vector.broadcast %broadcast_in_dim3A : f32 to vector<16xf32>
    %scan3A = arith.constant 0 : i32
    %scan3A_9 = arith.constant 0 : i32
    %scan3A_10 = arith.constant 0 : i32
    %scan3A_11 = arith.constant 104 : i32
    %scan3A_12 = arith.addi %scan3A_10, %scan3A_11 : i32
    %scan3A_13 = arith.constant 1 : i32
    %scan3A_14:2 = scf.for %scan3A_18 = %scan3A_10 to %scan3A_12 step %scan3A_13 iter_args(%scan3A_19 = %scan3A, %scan3A_20 = %scan3A_9) -> (i32, i32)  : i32 {
      %mul3A_21 = arith.constant 128 : i32
      %mul3A_22 = arith.muli %scan3A_18, %mul3A_21 : i32
      %add3A_23 = arith.constant 0 : i32
      %add3A_24 = arith.addi %mul3A_22, %add3A_23 : i32
      %get3A = arith.index_cast %add3A_24 : i32 to index
      %get3A_25 = tpu.vector_load %arg5[%get3A] {strides = array<i32>} : memref<13312xi32, #tpu.memory_space<vmem>>, vector<16xi32>,
      %get3A_26 = vector.shape_cast %get3A_25 : vector<16xi32> to vector<16xi32>
      %sub3A = arith.constant 26 : i32
      %sub3A_27 = arith.subi %sub3A, %scan3A_20 : i32
      %ge3A = vector.broadcast %sub3A_27 : i32 to vector<16xi32>
      %ge3A_28 = arith.cmpi sge, %iota3A, %ge3A : vector<16xi32>
      %jit3A = arith.constant -42598399 : i32
      %jit3A_29 = arith.constant 0 : i32
      %broadcast_in_dim3A_30 = vector.broadcast %jit3A : i32 to vector<16xi32>
      %broadcast_in_dim3A_31 = vector.broadcast %jit3A_29 : i32 to vector<16xi32>
      %select_n3A = arith.select %ge3A_28, %broadcast_in_dim3A_30, %broadcast_in_dim3A_31 : vector<16xi1>, vector<16xi32>
      %mul3A_32 = arith.constant 1638400 : i32
      %mul3A_33 = arith.muli %mul3A_32, %scan3A_20 : i32
      %add3A_34 = arith.addi %mul3A_33, %mul3A_2 : i32
      %add3A_35 = arith.addi %add3A_34, %scan3A_19 : i32
      %mul3A_36 = arith.constant 16384 : i32
      %mul3A_37 = vector.broadcast %mul3A_36 : i32 to vector<16xi32>
      %mul3A_38 = arith.muli %get3A_26, %mul3A_37 : vector<16xi32>
      %add3A_39 = arith.addi %mul3A_7, %mul3A_38 : vector<16xi32>
      %add3A_40 = arith.addi %add3A_39, %select_n3A : vector<16xi32>
      %add3A_41 = vector.broadcast %add3A_35 : i32 to vector<16xi32>
      %add3A_42 = arith.addi %add3A_40, %add3A_41 : vector<16xi32>
      %mul3A_43 = arith.constant 128 : i32
      %mul3A_44 = arith.muli %scan3A_18, %mul3A_43 : i32
      %add3A_45 = arith.constant 0 : i32
      %add3A_46 = arith.addi %mul3A_44, %add3A_45 : i32
      %swap3A = arith.index_cast %add3A_46 : i32 to index
      %swap3A_47 = tpu.vector_load %arg6[%swap3A] {strides = array<i32>} : memref<13312xi32, #tpu.memory_space<vmem>>, vector<16xi32>,
      %swap3A_48 = vector.shape_cast %swap3A_47 : vector<16xi32> to vector<16xi32>
      %swap3A_49 = vector.shape_cast %add3A_42 : vector<16xi32> to vector<16xi32>
      tpu.vector_store %arg6[%swap3A], %swap3A_49 {strides = array<i32>} : memref<13312xi32, #tpu.memory_space<vmem>>, vector<16xi32>,
      %mul3A_50 = arith.constant 128 : i32
      %mul3A_51 = arith.muli %scan3A_18, %mul3A_50 : i32
      %add3A_52 = arith.constant 0 : i32
      %add3A_53 = arith.addi %mul3A_51, %add3A_52 : i32
      %swap3A_54 = arith.index_cast %add3A_53 : i32 to index
      %swap3A_55 = tpu.vector_load %arg7[%swap3A_54] {strides = array<i32>} : memref<13312xf32, #tpu.memory_space<vmem>>, vector<16xf32>,
      %swap3A_56 = vector.shape_cast %swap3A_55 : vector<16xf32> to vector<16xf32>
      %swap3A_57 = vector.shape_cast %broadcast_in_dim3A_8 : vector<16xf32> to vector<16xf32>
      tpu.vector_store %arg7[%swap3A_54], %swap3A_57 {strides = array<i32>} : memref<13312xf32, #tpu.memory_space<vmem>>, vector<16xf32>,
      %add3A_58 = arith.constant 16 : i32
      %add3A_59 = arith.addi %scan3A_20, %add3A_58 : i32
      %ge3A_60 = arith.constant 26 : i32
      %ge3A_61 = arith.cmpi sge, %add3A_59, %ge3A_60 : i32
      %jit3A_62 = arith.constant 1 : i32
      %jit3A_63 = arith.constant 0 : i32
      %select_n3A_64 = arith.select %ge3A_61, %jit3A_62, %jit3A_63 : i32
      %add3A_65 = arith.addi %scan3A_19, %select_n3A_64 : i32
      %jit3A_66 = arith.constant -10 : i32
      %jit3A_67 = arith.constant 16 : i32
      %select_n3A_68 = arith.select %ge3A_61, %jit3A_66, %jit3A_67 : i32
      %add3A_69 = arith.addi %scan3A_20, %select_n3A_68 : i32
      %mul3A_70 = arith.constant 128 : i32
      %mul3A_71 = arith.muli %scan3A_18, %mul3A_70 : i32
      %add3A_72 = arith.constant 16 : i32
      %add3A_73 = arith.addi %mul3A_71, %add3A_72 : i32
      %get3A_74 = arith.index_cast %add3A_73 : i32 to index
      %get3A_75 = tpu.vector_load %arg5[%get3A_74] {strides = array<i32>} : memref<13312xi32, #tpu.memory_space<vmem>>, vector<16xi32>,
      %get3A_76 = vector.shape_cast %get3A_75 : vector<16xi32> to vector<16xi32>
      %sub3A_77 = arith.constant 26 : i32
      %sub3A_78 = arith.subi %sub3A_77, %add3A_69 : i32
      %ge3A_79 = vector.broadcast %sub3A_78 : i32 to vector<16xi32>
      %ge3A_80 = arith.cmpi sge, %iota3A, %ge3A_79 : vector<16xi32>
      %jit3A_81 = arith.constant -42598399 : i32
      %jit3A_82 = arith.constant 0 : i32
      %broadcast_in_dim3A_83 = vector.broadcast %jit3A_81 : i32 to vector<16xi32>
      %broadcast_in_dim3A_84 = vector.broadcast %jit3A_82 : i32 to vector<16xi32>
      %select_n3A_85 = arith.select %ge3A_80, %broadcast_in_dim3A_83, %broadcast_in_dim3A_84 : vector<16xi1>, vector<16xi32>
      %mul3A_86 = arith.constant 1638400 : i32
      %mul3A_87 = arith.muli %mul3A_86, %add3A_69 : i32
      %add3A_88 = arith.addi %mul3A_87, %mul3A_2 : i32
      %add3A_89 = arith.addi %add3A_88, %add3A_65 : i32
      %mul3A_90 = arith.constant 16384 : i32
      %mul3A_91 = vector.broadcast %mul3A_90 : i32 to vector<16xi32>
      %mul3A_92 = arith.muli %get3A_76, %mul3A_91 : vector<16xi32>
      %add3A_93 = arith.addi %mul3A_7, %mul3A_92 : vector<16xi32>
      %add3A_94 = arith.addi %add3A_93, %select_n3A_85 : vector<16xi32>
      %add3A_95 = vector.broadcast %add3A_89 : i32 to vector<16xi32>
      %add3A_96 = arith.addi %add3A_94, %add3A_95 : vector<16xi32>
      %mul3A_97 = arith.constant 128 : i32
      %mul3A_98 = arith.muli %scan3A_18, %mul3A_97 : i32
      %add3A_99 = arith.constant 16 : i32
      %add3A_100 = arith.addi %mul3A_98, %add3A_99 : i32
      %swap3A_101 = arith.index_cast %add3A_100 : i32 to index
      %swap3A_102 = tpu.vector_load %arg6[%swap3A_101] {strides = array<i32>} : memref<13312xi32, #tpu.memory_space<vmem>>, vector<16xi32>,
      %swap3A_103 = vector.shape_cast %swap3A_102 : vector<16xi32> to vector<16xi32>
      %swap3A_104 = vector.shape_cast %add3A_96 : vector<16xi32> to vector<16xi32>
      tpu.vector_store %arg6[%swap3A_101], %swap3A_104 {strides = array<i32>} : memref<13312xi32, #tpu.memory_space<vmem>>, vector<16xi32>,
      %mul3A_105 = arith.constant 128 : i32
      %mul3A_106 = arith.muli %scan3A_18, %mul3A_105 : i32
      %add3A_107 = arith.constant 16 : i32
      %add3A_108 = arith.addi %mul3A_106, %add3A_107 : i32
      %swap3A_109 = arith.index_cast %add3A_108 : i32 to index
      %swap3A_110 = tpu.vector_load %arg7[%swap3A_109] {strides = array<i32>} : memref<13312xf32, #tpu.memory_space<vmem>>, vector<16xf32>,
      %swap3A_111 = vector.shape_cast %swap3A_110 : vector<16xf32> to vector<16xf32>
      %swap3A_112 = vector.shape_cast %broadcast_in_dim3A_8 : vector<16xf32> to vector<16xf32>
      tpu.vector_store %arg7[%swap3A_109], %swap3A_112 {strides = array<i32>} : memref<13312xf32, #tpu.memory_space<vmem>>, vector<16xf32>,
      %add3A_113 = arith.constant 16 : i32
      %add3A_114 = arith.addi %add3A_69, %add3A_113 : i32
      %ge3A_115 = arith.constant 26 : i32
      %ge3A_116 = arith.cmpi sge, %add3A_114, %ge3A_115 : i32
      %jit3A_117 = arith.constant 1 : i32
      %jit3A_118 = arith.constant 0 : i32
      %select_n3A_119 = arith.select %ge3A_116, %jit3A_117, %jit3A_118 : i32
      %add3A_120 = arith.addi %add3A_65, %select_n3A_119 : i32
      %jit3A_121 = arith.constant -10 : i32
      %jit3A_122 = arith.constant 16 : i32
      %select_n3A_123 = arith.select %ge3A_116, %jit3A_121, %jit3A_122 : i32
      %add3A_124 = arith.addi %add3A_69, %select_n3A_123 : i32
      %mul3A_125 = arith.constant 128 : i32
      %mul3A_126 = arith.muli %scan3A_18, %mul3A_125 : i32
      %add3A_127 = arith.constant 32 : i32
      %add3A_128 = arith.addi %mul3A_126, %add3A_127 : i32
      %get3A_129 = arith.index_cast %add3A_128 : i32 to index
      %get3A_130 = tpu.vector_load %arg5[%get3A_129] {strides = array<i32>} : memref<13312xi32, #tpu.memory_space<vmem>>, vector<16xi32>,
      %get3A_131 = vector.shape_cast %get3A_130 : vector<16xi32> to vector<16xi32>
      %sub3A_132 = arith.constant 26 : i32
      %sub3A_133 = arith.subi %sub3A_132, %add3A_124 : i32
      %ge3A_134 = vector.broadcast %sub3A_133 : i32 to vector<16xi32>
      %ge3A_135 = arith.cmpi sge, %iota3A, %ge3A_134 : vector<16xi32>
      %jit3A_136 = arith.constant -42598399 : i32
      %jit3A_137 = arith.constant 0 : i32
      %broadcast_in_dim3A_138 = vector.broadcast %jit3A_136 : i32 to vector<16xi32>
      %broadcast_in_dim3A_139 = vector.broadcast %jit3A_137 : i32 to vector<16xi32>
      %select_n3A_140 = arith.select %ge3A_135, %broadcast_in_dim3A_138, %broadcast_in_dim3A_139 : vector<16xi1>, vector<16xi32>
      %mul3A_141 = arith.constant 1638400 : i32
      %mul3A_142 = arith.muli %mul3A_141, %add3A_124 : i32
      %add3A_143 = arith.addi %mul3A_142, %mul3A_2 : i32
      %add3A_144 = arith.addi %add3A_143, %add3A_120 : i32
      %mul3A_145 = arith.constant 16384 : i32
      %mul3A_146 = vector.broadcast %mul3A_145 : i32 to vector<16xi32>
      %mul3A_147 = arith.muli %get3A_131, %mul3A_146 : vector<16xi32>
      %add3A_148 = arith.addi %mul3A_7, %mul3A_147 : vector<16xi32>
      %add3A_149 = arith.addi %add3A_148, %select_n3A_140 : vector<16xi32>
      %add3A_150 = vector.broadcast %add3A_144 : i32 to vector<16xi32>
      %add3A_151 = arith.addi %add3A_149, %add3A_150 : vector<16xi32>
      %mul3A_152 = arith.constant 128 : i32
      %mul3A_153 = arith.muli %scan3A_18, %mul3A_152 : i32
      %add3A_154 = arith.constant 32 : i32
      %add3A_155 = arith.addi %mul3A_153, %add3A_154 : i32
      %swap3A_156 = arith.index_cast %add3A_155 : i32 to index
      %swap3A_157 = tpu.vector_load %arg6[%swap3A_156] {strides = array<i32>} : memref<13312xi32, #tpu.memory_space<vmem>>, vector<16xi32>,
      %swap3A_158 = vector.shape_cast %swap3A_157 : vector<16xi32> to vector<16xi32>
      %swap3A_159 = vector.shape_cast %add3A_151 : vector<16xi32> to vector<16xi32>
      tpu.vector_store %arg6[%swap3A_156], %swap3A_159 {strides = array<i32>} : memref<13312xi32, #tpu.memory_space<vmem>>, vector<16xi32>,
      %mul3A_160 = arith.constant 128 : i32
      %mul3A_161 = arith.muli %scan3A_18, %mul3A_160 : i32
      %add3A_162 = arith.constant 32 : i32
      %add3A_163 = arith.addi %mul3A_161, %add3A_162 : i32
      %swap3A_164 = arith.index_cast %add3A_163 : i32 to index
      %swap3A_165 = tpu.vector_load %arg7[%swap3A_164] {strides = array<i32>} : memref<13312xf32, #tpu.memory_space<vmem>>, vector<16xf32>,
      %swap3A_166 = vector.shape_cast %swap3A_165 : vector<16xf32> to vector<16xf32>
      %swap3A_167 = vector.shape_cast %broadcast_in_dim3A_8 : vector<16xf32> to vector<16xf32>
      tpu.vector_store %arg7[%swap3A_164], %swap3A_167 {strides = array<i32>} : memref<13312xf32, #tpu.memory_space<vmem>>, vector<16xf32>,
      %add3A_168 = arith.constant 16 : i32
      %add3A_169 = arith.addi %add3A_124, %add3A_168 : i32
      %ge3A_170 = arith.constant 26 : i32
      %ge3A_171 = arith.cmpi sge, %add3A_169, %ge3A_170 : i32
      %jit3A_172 = arith.constant 1 : i32
      %jit3A_173 = arith.constant 0 : i32
      %select_n3A_174 = arith.select %ge3A_171, %jit3A_172, %jit3A_173 : i32
      %add3A_175 = arith.addi %add3A_120, %select_n3A_174 : i32
      %jit3A_176 = arith.constant -10 : i32
      %jit3A_177 = arith.constant 16 : i32
      %select_n3A_178 = arith.select %ge3A_171, %jit3A_176, %jit3A_177 : i32
      %add3A_179 = arith.addi %add3A_124, %select_n3A_178 : i32
      %mul3A_180 = arith.constant 128 : i32
      %mul3A_181 = arith.muli %scan3A_18, %mul3A_180 : i32
      %add3A_182 = arith.constant 48 : i32
      %add3A_183 = arith.addi %mul3A_181, %add3A_182 : i32
      %get3A_184 = arith.index_cast %add3A_183 : i32 to index
      %get3A_185 = tpu.vector_load %arg5[%get3A_184] {strides = array<i32>} : memref<13312xi32, #tpu.memory_space<vmem>>, vector<16xi32>,
      %get3A_186 = vector.shape_cast %get3A_185 : vector<16xi32> to vector<16xi32>
      %sub3A_187 = arith.constant 26 : i32
      %sub3A_188 = arith.subi %sub3A_187, %add3A_179 : i32
      %ge3A_189 = vector.broadcast %sub3A_188 : i32 to vector<16xi32>
      %ge3A_190 = arith.cmpi sge, %iota3A, %ge3A_189 : vector<16xi32>
      %jit3A_191 = arith.constant -42598399 : i32
      %jit3A_192 = arith.constant 0 : i32
      %broadcast_in_dim3A_193 = vector.broadcast %jit3A_191 : i32 to vector<16xi32>
      %broadcast_in_dim3A_194 = vector.broadcast %jit3A_192 : i32 to vector<16xi32>
      %select_n3A_195 = arith.select %ge3A_190, %broadcast_in_dim3A_193, %broadcast_in_dim3A_194 : vector<16xi1>, vector<16xi32>
      %mul3A_196 = arith.constant 1638400 : i32
      %mul3A_197 = arith.muli %mul3A_196, %add3A_179 : i32
      %add3A_198 = arith.addi %mul3A_197, %mul3A_2 : i32
      %add3A_199 = arith.addi %add3A_198, %add3A_175 : i32
      %mul3A_200 = arith.constant 16384 : i32
      %mul3A_201 = vector.broadcast %mul3A_200 : i32 to vector<16xi32>
      %mul3A_202 = arith.muli %get3A_186, %mul3A_201 : vector<16xi32>
      %add3A_203 = arith.addi %mul3A_7, %mul3A_202 : vector<16xi32>
      %add3A_204 = arith.addi %add3A_203, %select_n3A_195 : vector<16xi32>
      %add3A_205 = vector.broadcast %add3A_199 : i32 to vector<16xi32>
      %add3A_206 = arith.addi %add3A_204, %add3A_205 : vector<16xi32>
      %mul3A_207 = arith.constant 128 : i32
      %mul3A_208 = arith.muli %scan3A_18, %mul3A_207 : i32
      %add3A_209 = arith.constant 48 : i32
      %add3A_210 = arith.addi %mul3A_208, %add3A_209 : i32
      %swap3A_211 = arith.index_cast %add3A_210 : i32 to index
      %swap3A_212 = tpu.vector_load %arg6[%swap3A_211] {strides = array<i32>} : memref<13312xi32, #tpu.memory_space<vmem>>, vector<16xi32>,
      %swap3A_213 = vector.shape_cast %swap3A_212 : vector<16xi32> to vector<16xi32>
      %swap3A_214 = vector.shape_cast %add3A_206 : vector<16xi32> to vector<16xi32>
      tpu.vector_store %arg6[%swap3A_211], %swap3A_214 {strides = array<i32>} : memref<13312xi32, #tpu.memory_space<vmem>>, vector<16xi32>,
      %mul3A_215 = arith.constant 128 : i32
      %mul3A_216 = arith.muli %scan3A_18, %mul3A_215 : i32
      %add3A_217 = arith.constant 48 : i32
      %add3A_218 = arith.addi %mul3A_216, %add3A_217 : i32
      %swap3A_219 = arith.index_cast %add3A_218 : i32 to index
      %swap3A_220 = tpu.vector_load %arg7[%swap3A_219] {strides = array<i32>} : memref<13312xf32, #tpu.memory_space<vmem>>, vector<16xf32>,
      %swap3A_221 = vector.shape_cast %swap3A_220 : vector<16xf32> to vector<16xf32>
      %swap3A_222 = vector.shape_cast %broadcast_in_dim3A_8 : vector<16xf32> to vector<16xf32>
      tpu.vector_store %arg7[%swap3A_219], %swap3A_222 {strides = array<i32>} : memref<13312xf32, #tpu.memory_space<vmem>>, vector<16xf32>,
      %add3A_223 = arith.constant 16 : i32
      %add3A_224 = arith.addi %add3A_179, %add3A_223 : i32
      %ge3A_225 = arith.constant 26 : i32
      %ge3A_226 = arith.cmpi sge, %add3A_224, %ge3A_225 : i32
      %jit3A_227 = arith.constant 1 : i32
      %jit3A_228 = arith.constant 0 : i32
      %select_n3A_229 = arith.select %ge3A_226, %jit3A_227, %jit3A_228 : i32
      %add3A_230 = arith.addi %add3A_175, %select_n3A_229 : i32
      %jit3A_231 = arith.constant -10 : i32
      %jit3A_232 = arith.constant 16 : i32
      %select_n3A_233 = arith.select %ge3A_226, %jit3A_231, %jit3A_232 : i32
      %add3A_234 = arith.addi %add3A_179, %select_n3A_233 : i32
      %mul3A_235 = arith.constant 128 : i32
      %mul3A_236 = arith.muli %scan3A_18, %mul3A_235 : i32
      %add3A_237 = arith.constant 64 : i32
      %add3A_238 = arith.addi %mul3A_236, %add3A_237 : i32
      %get3A_239 = arith.index_cast %add3A_238 : i32 to index
      %get3A_240 = tpu.vector_load %arg5[%get3A_239] {strides = array<i32>} : memref<13312xi32, #tpu.memory_space<vmem>>, vector<16xi32>,
      %get3A_241 = vector.shape_cast %get3A_240 : vector<16xi32> to vector<16xi32>
      %sub3A_242 = arith.constant 26 : i32
      %sub3A_243 = arith.subi %sub3A_242, %add3A_234 : i32
      %ge3A_244 = vector.broadcast %sub3A_243 : i32 to vector<16xi32>
      %ge3A_245 = arith.cmpi sge, %iota3A, %ge3A_244 : vector<16xi32>
      %jit3A_246 = arith.constant -42598399 : i32
      %jit3A_247 = arith.constant 0 : i32
      %broadcast_in_dim3A_248 = vector.broadcast %jit3A_246 : i32 to vector<16xi32>
      %broadcast_in_dim3A_249 = vector.broadcast %jit3A_247 : i32 to vector<16xi32>
      %select_n3A_250 = arith.select %ge3A_245, %broadcast_in_dim3A_248, %broadcast_in_dim3A_249 : vector<16xi1>, vector<16xi32>
      %mul3A_251 = arith.constant 1638400 : i32
      %mul3A_252 = arith.muli %mul3A_251, %add3A_234 : i32
      %add3A_253 = arith.addi %mul3A_252, %mul3A_2 : i32
      %add3A_254 = arith.addi %add3A_253, %add3A_230 : i32
      %mul3A_255 = arith.constant 16384 : i32
      %mul3A_256 = vector.broadcast %mul3A_255 : i32 to vector<16xi32>
      %mul3A_257 = arith.muli %get3A_241, %mul3A_256 : vector<16xi32>
      %add3A_258 = arith.addi %mul3A_7, %mul3A_257 : vector<16xi32>
      %add3A_259 = arith.addi %add3A_258, %select_n3A_250 : vector<16xi32>
      %add3A_260 = vector.broadcast %add3A_254 : i32 to vector<16xi32>
      %add3A_261 = arith.addi %add3A_259, %add3A_260 : vector<16xi32>
      %mul3A_262 = arith.constant 128 : i32
      %mul3A_263 = arith.muli %scan3A_18, %mul3A_262 : i32
      %add3A_264 = arith.constant 64 : i32
      %add3A_265 = arith.addi %mul3A_263, %add3A_264 : i32
      %swap3A_266 = arith.index_cast %add3A_265 : i32 to index
      %swap3A_267 = tpu.vector_load %arg6[%swap3A_266] {strides = array<i32>} : memref<13312xi32, #tpu.memory_space<vmem>>, vector<16xi32>,
      %swap3A_268 = vector.shape_cast %swap3A_267 : vector<16xi32> to vector<16xi32>
      %swap3A_269 = vector.shape_cast %add3A_261 : vector<16xi32> to vector<16xi32>
      tpu.vector_store %arg6[%swap3A_266], %swap3A_269 {strides = array<i32>} : memref<13312xi32, #tpu.memory_space<vmem>>, vector<16xi32>,
      %mul3A_270 = arith.constant 128 : i32
      %mul3A_271 = arith.muli %scan3A_18, %mul3A_270 : i32
      %add3A_272 = arith.constant 64 : i32
      %add3A_273 = arith.addi %mul3A_271, %add3A_272 : i32
      %swap3A_274 = arith.index_cast %add3A_273 : i32 to index
      %swap3A_275 = tpu.vector_load %arg7[%swap3A_274] {strides = array<i32>} : memref<13312xf32, #tpu.memory_space<vmem>>, vector<16xf32>,
      %swap3A_276 = vector.shape_cast %swap3A_275 : vector<16xf32> to vector<16xf32>
      %swap3A_277 = vector.shape_cast %broadcast_in_dim3A_8 : vector<16xf32> to vector<16xf32>
      tpu.vector_store %arg7[%swap3A_274], %swap3A_277 {strides = array<i32>} : memref<13312xf32, #tpu.memory_space<vmem>>, vector<16xf32>,
      %add3A_278 = arith.constant 16 : i32
      %add3A_279 = arith.addi %add3A_234, %add3A_278 : i32
      %ge3A_280 = arith.constant 26 : i32
      %ge3A_281 = arith.cmpi sge, %add3A_279, %ge3A_280 : i32
      %jit3A_282 = arith.constant 1 : i32
      %jit3A_283 = arith.constant 0 : i32
      %select_n3A_284 = arith.select %ge3A_281, %jit3A_282, %jit3A_283 : i32
      %add3A_285 = arith.addi %add3A_230, %select_n3A_284 : i32
      %jit3A_286 = arith.constant -10 : i32
      %jit3A_287 = arith.constant 16 : i32
      %select_n3A_288 = arith.select %ge3A_281, %jit3A_286, %jit3A_287 : i32
      %add3A_289 = arith.addi %add3A_234, %select_n3A_288 : i32
      %mul3A_290 = arith.constant 128 : i32
      %mul3A_291 = arith.muli %scan3A_18, %mul3A_290 : i32
      %add3A_292 = arith.constant 80 : i32
      %add3A_293 = arith.addi %mul3A_291, %add3A_292 : i32
      %get3A_294 = arith.index_cast %add3A_293 : i32 to index
      %get3A_295 = tpu.vector_load %arg5[%get3A_294] {strides = array<i32>} : memref<13312xi32, #tpu.memory_space<vmem>>, vector<16xi32>,
      %get3A_296 = vector.shape_cast %get3A_295 : vector<16xi32> to vector<16xi32>
      %sub3A_297 = arith.constant 26 : i32
      %sub3A_298 = arith.subi %sub3A_297, %add3A_289 : i32
      %ge3A_299 = vector.broadcast %sub3A_298 : i32 to vector<16xi32>
      %ge3A_300 = arith.cmpi sge, %iota3A, %ge3A_299 : vector<16xi32>
      %jit3A_301 = arith.constant -42598399 : i32
      %jit3A_302 = arith.constant 0 : i32
      %broadcast_in_dim3A_303 = vector.broadcast %jit3A_301 : i32 to vector<16xi32>
      %broadcast_in_dim3A_304 = vector.broadcast %jit3A_302 : i32 to vector<16xi32>
      %select_n3A_305 = arith.select %ge3A_300, %broadcast_in_dim3A_303, %broadcast_in_dim3A_304 : vector<16xi1>, vector<16xi32>
      %mul3A_306 = arith.constant 1638400 : i32
      %mul3A_307 = arith.muli %mul3A_306, %add3A_289 : i32
      %add3A_308 = arith.addi %mul3A_307, %mul3A_2 : i32
      %add3A_309 = arith.addi %add3A_308, %add3A_285 : i32
      %mul3A_310 = arith.constant 16384 : i32
      %mul3A_311 = vector.broadcast %mul3A_310 : i32 to vector<16xi32>
      %mul3A_312 = arith.muli %get3A_296, %mul3A_311 : vector<16xi32>
      %add3A_313 = arith.addi %mul3A_7, %mul3A_312 : vector<16xi32>
      %add3A_314 = arith.addi %add3A_313, %select_n3A_305 : vector<16xi32>
      %add3A_315 = vector.broadcast %add3A_309 : i32 to vector<16xi32>
      %add3A_316 = arith.addi %add3A_314, %add3A_315 : vector<16xi32>
      %mul3A_317 = arith.constant 128 : i32
      %mul3A_318 = arith.muli %scan3A_18, %mul3A_317 : i32
      %add3A_319 = arith.constant 80 : i32
      %add3A_320 = arith.addi %mul3A_318, %add3A_319 : i32
      %swap3A_321 = arith.index_cast %add3A_320 : i32 to index
      %swap3A_322 = tpu.vector_load %arg6[%swap3A_321] {strides = array<i32>} : memref<13312xi32, #tpu.memory_space<vmem>>, vector<16xi32>,
      %swap3A_323 = vector.shape_cast %swap3A_322 : vector<16xi32> to vector<16xi32>
      %swap3A_324 = vector.shape_cast %add3A_316 : vector<16xi32> to vector<16xi32>
      tpu.vector_store %arg6[%swap3A_321], %swap3A_324 {strides = array<i32>} : memref<13312xi32, #tpu.memory_space<vmem>>, vector<16xi32>,
      %mul3A_325 = arith.constant 128 : i32
      %mul3A_326 = arith.muli %scan3A_18, %mul3A_325 : i32
      %add3A_327 = arith.constant 80 : i32
      %add3A_328 = arith.addi %mul3A_326, %add3A_327 : i32
      %swap3A_329 = arith.index_cast %add3A_328 : i32 to index
      %swap3A_330 = tpu.vector_load %arg7[%swap3A_329] {strides = array<i32>} : memref<13312xf32, #tpu.memory_space<vmem>>, vector<16xf32>,
      %swap3A_331 = vector.shape_cast %swap3A_330 : vector<16xf32> to vector<16xf32>
      %swap3A_332 = vector.shape_cast %broadcast_in_dim3A_8 : vector<16xf32> to vector<16xf32>
      tpu.vector_store %arg7[%swap3A_329], %swap3A_332 {strides = array<i32>} : memref<13312xf32, #tpu.memory_space<vmem>>, vector<16xf32>,
      %add3A_333 = arith.constant 16 : i32
      %add3A_334 = arith.addi %add3A_289, %add3A_333 : i32
      %ge3A_335 = arith.constant 26 : i32
      %ge3A_336 = arith.cmpi sge, %add3A_334, %ge3A_335 : i32
      %jit3A_337 = arith.constant 1 : i32
      %jit3A_338 = arith.constant 0 : i32
      %select_n3A_339 = arith.select %ge3A_336, %jit3A_337, %jit3A_338 : i32
      %add3A_340 = arith.addi %add3A_285, %select_n3A_339 : i32
      %jit3A_341 = arith.constant -10 : i32
      %jit3A_342 = arith.constant 16 : i32
      %select_n3A_343 = arith.select %ge3A_336, %jit3A_341, %jit3A_342 : i32
      %add3A_344 = arith.addi %add3A_289, %select_n3A_343 : i32
      %mul3A_345 = arith.constant 128 : i32
      %mul3A_346 = arith.muli %scan3A_18, %mul3A_345 : i32
      %add3A_347 = arith.constant 96 : i32
      %add3A_348 = arith.addi %mul3A_346, %add3A_347 : i32
      %get3A_349 = arith.index_cast %add3A_348 : i32 to index
      %get3A_350 = tpu.vector_load %arg5[%get3A_349] {strides = array<i32>} : memref<13312xi32, #tpu.memory_space<vmem>>, vector<16xi32>,
      %get3A_351 = vector.shape_cast %get3A_350 : vector<16xi32> to vector<16xi32>
      %sub3A_352 = arith.constant 26 : i32
      %sub3A_353 = arith.subi %sub3A_352, %add3A_344 : i32
      %ge3A_354 = vector.broadcast %sub3A_353 : i32 to vector<16xi32>
      %ge3A_355 = arith.cmpi sge, %iota3A, %ge3A_354 : vector<16xi32>
      %jit3A_356 = arith.constant -42598399 : i32
      %jit3A_357 = arith.constant 0 : i32
      %broadcast_in_dim3A_358 = vector.broadcast %jit3A_356 : i32 to vector<16xi32>
      %broadcast_in_dim3A_359 = vector.broadcast %jit3A_357 : i32 to vector<16xi32>
      %select_n3A_360 = arith.select %ge3A_355, %broadcast_in_dim3A_358, %broadcast_in_dim3A_359 : vector<16xi1>, vector<16xi32>
      %mul3A_361 = arith.constant 1638400 : i32
      %mul3A_362 = arith.muli %mul3A_361, %add3A_344 : i32
      %add3A_363 = arith.addi %mul3A_362, %mul3A_2 : i32
      %add3A_364 = arith.addi %add3A_363, %add3A_340 : i32
      %mul3A_365 = arith.constant 16384 : i32
      %mul3A_366 = vector.broadcast %mul3A_365 : i32 to vector<16xi32>
      %mul3A_367 = arith.muli %get3A_351, %mul3A_366 : vector<16xi32>
      %add3A_368 = arith.addi %mul3A_7, %mul3A_367 : vector<16xi32>
      %add3A_369 = arith.addi %add3A_368, %select_n3A_360 : vector<16xi32>
      %add3A_370 = vector.broadcast %add3A_364 : i32 to vector<16xi32>
      %add3A_371 = arith.addi %add3A_369, %add3A_370 : vector<16xi32>
      %mul3A_372 = arith.constant 128 : i32
      %mul3A_373 = arith.muli %scan3A_18, %mul3A_372 : i32
      %add3A_374 = arith.constant 96 : i32
      %add3A_375 = arith.addi %mul3A_373, %add3A_374 : i32
      %swap3A_376 = arith.index_cast %add3A_375 : i32 to index
      %swap3A_377 = tpu.vector_load %arg6[%swap3A_376] {strides = array<i32>} : memref<13312xi32, #tpu.memory_space<vmem>>, vector<16xi32>,
      %swap3A_378 = vector.shape_cast %swap3A_377 : vector<16xi32> to vector<16xi32>
      %swap3A_379 = vector.shape_cast %add3A_371 : vector<16xi32> to vector<16xi32>
      tpu.vector_store %arg6[%swap3A_376], %swap3A_379 {strides = array<i32>} : memref<13312xi32, #tpu.memory_space<vmem>>, vector<16xi32>,
      %mul3A_380 = arith.constant 128 : i32
      %mul3A_381 = arith.muli %scan3A_18, %mul3A_380 : i32
      %add3A_382 = arith.constant 96 : i32
      %add3A_383 = arith.addi %mul3A_381, %add3A_382 : i32
      %swap3A_384 = arith.index_cast %add3A_383 : i32 to index
      %swap3A_385 = tpu.vector_load %arg7[%swap3A_384] {strides = array<i32>} : memref<13312xf32, #tpu.memory_space<vmem>>, vector<16xf32>,
      %swap3A_386 = vector.shape_cast %swap3A_385 : vector<16xf32> to vector<16xf32>
      %swap3A_387 = vector.shape_cast %broadcast_in_dim3A_8 : vector<16xf32> to vector<16xf32>
      tpu.vector_store %arg7[%swap3A_384], %swap3A_387 {strides = array<i32>} : memref<13312xf32, #tpu.memory_space<vmem>>, vector<16xf32>,
      %add3A_388 = arith.constant 16 : i32
      %add3A_389 = arith.addi %add3A_344, %add3A_388 : i32
      %ge3A_390 = arith.constant 26 : i32
      %ge3A_391 = arith.cmpi sge, %add3A_389, %ge3A_390 : i32
      %jit3A_392 = arith.constant 1 : i32
      %jit3A_393 = arith.constant 0 : i32
      %select_n3A_394 = arith.select %ge3A_391, %jit3A_392, %jit3A_393 : i32
      %add3A_395 = arith.addi %add3A_340, %select_n3A_394 : i32
      %jit3A_396 = arith.constant -10 : i32
      %jit3A_397 = arith.constant 16 : i32
      %select_n3A_398 = arith.select %ge3A_391, %jit3A_396, %jit3A_397 : i32
      %add3A_399 = arith.addi %add3A_344, %select_n3A_398 : i32
      %mul3A_400 = arith.constant 128 : i32
      %mul3A_401 = arith.muli %scan3A_18, %mul3A_400 : i32
      %add3A_402 = arith.constant 112 : i32
      %add3A_403 = arith.addi %mul3A_401, %add3A_402 : i32
      %get3A_404 = arith.index_cast %add3A_403 : i32 to index
      %get3A_405 = tpu.vector_load %arg5[%get3A_404] {strides = array<i32>} : memref<13312xi32, #tpu.memory_space<vmem>>, vector<16xi32>,
      %get3A_406 = vector.shape_cast %get3A_405 : vector<16xi32> to vector<16xi32>
      %sub3A_407 = arith.constant 26 : i32
      %sub3A_408 = arith.subi %sub3A_407, %add3A_399 : i32
      %ge3A_409 = vector.broadcast %sub3A_408 : i32 to vector<16xi32>
      %ge3A_410 = arith.cmpi sge, %iota3A, %ge3A_409 : vector<16xi32>
      %jit3A_411 = arith.constant -42598399 : i32
      %jit3A_412 = arith.constant 0 : i32
      %broadcast_in_dim3A_413 = vector.broadcast %jit3A_411 : i32 to vector<16xi32>
      %broadcast_in_dim3A_414 = vector.broadcast %jit3A_412 : i32 to vector<16xi32>
      %select_n3A_415 = arith.select %ge3A_410, %broadcast_in_dim3A_413, %broadcast_in_dim3A_414 : vector<16xi1>, vector<16xi32>
      %mul3A_416 = arith.constant 1638400 : i32
      %mul3A_417 = arith.muli %mul3A_416, %add3A_399 : i32
      %add3A_418 = arith.addi %mul3A_417, %mul3A_2 : i32
      %add3A_419 = arith.addi %add3A_418, %add3A_395 : i32
      %mul3A_420 = arith.constant 16384 : i32
      %mul3A_421 = vector.broadcast %mul3A_420 : i32 to vector<16xi32>
      %mul3A_422 = arith.muli %get3A_406, %mul3A_421 : vector<16xi32>
      %add3A_423 = arith.addi %mul3A_7, %mul3A_422 : vector<16xi32>
      %add3A_424 = arith.addi %add3A_423, %select_n3A_415 : vector<16xi32>
      %add3A_425 = vector.broadcast %add3A_419 : i32 to vector<16xi32>
      %add3A_426 = arith.addi %add3A_424, %add3A_425 : vector<16xi32>
      %mul3A_427 = arith.constant 128 : i32
      %mul3A_428 = arith.muli %scan3A_18, %mul3A_427 : i32
      %add3A_429 = arith.constant 112 : i32
      %add3A_430 = arith.addi %mul3A_428, %add3A_429 : i32
      %swap3A_431 = arith.index_cast %add3A_430 : i32 to index
      %swap3A_432 = tpu.vector_load %arg6[%swap3A_431] {strides = array<i32>} : memref<13312xi32, #tpu.memory_space<vmem>>, vector<16xi32>,
      %swap3A_433 = vector.shape_cast %swap3A_432 : vector<16xi32> to vector<16xi32>
      %swap3A_434 = vector.shape_cast %add3A_426 : vector<16xi32> to vector<16xi32>
      tpu.vector_store %arg6[%swap3A_431], %swap3A_434 {strides = array<i32>} : memref<13312xi32, #tpu.memory_space<vmem>>, vector<16xi32>,
      %mul3A_435 = arith.constant 128 : i32
      %mul3A_436 = arith.muli %scan3A_18, %mul3A_435 : i32
      %add3A_437 = arith.constant 112 : i32
      %add3A_438 = arith.addi %mul3A_436, %add3A_437 : i32
      %swap3A_439 = arith.index_cast %add3A_438 : i32 to index
      %swap3A_440 = tpu.vector_load %arg7[%swap3A_439] {strides = array<i32>} : memref<13312xf32, #tpu.memory_space<vmem>>, vector<16xf32>,
      %swap3A_441 = vector.shape_cast %swap3A_440 : vector<16xf32> to vector<16xf32>
      %swap3A_442 = vector.shape_cast %broadcast_in_dim3A_8 : vector<16xf32> to vector<16xf32>
      tpu.vector_store %arg7[%swap3A_439], %swap3A_442 {strides = array<i32>} : memref<13312xf32, #tpu.memory_space<vmem>>, vector<16xf32>,
      %add3A_443 = arith.constant 16 : i32
      %add3A_444 = arith.addi %add3A_399, %add3A_443 : i32
      %ge3A_445 = arith.constant 26 : i32
      %ge3A_446 = arith.cmpi sge, %add3A_444, %ge3A_445 : i32
      %jit3A_447 = arith.constant 1 : i32
      %jit3A_448 = arith.constant 0 : i32
      %select_n3A_449 = arith.select %ge3A_446, %jit3A_447, %jit3A_448 : i32
      %add3A_450 = arith.addi %add3A_395, %select_n3A_449 : i32
      %jit3A_451 = arith.constant -10 : i32
      %jit3A_452 = arith.constant 16 : i32
      %select_n3A_453 = arith.select %ge3A_446, %jit3A_451, %jit3A_452 : i32
      %add3A_454 = arith.addi %add3A_399, %select_n3A_453 : i32
      scf.yield %add3A_450, %add3A_454 : i32, i32
    }
    %scan3A_15 = arith.constant 104 : i32
    %dma_start3A = arith.constant 0 : i32
    %dma_start3A_16 = tpu.memref_slice %arg4[%dma_start3A] : memref<42860544xf32, #tpu.memory_space<hbm>> -> memref<42860544xf32, #tpu.memory_space<hbm>>
    tpu.enqueue_indirect_dma source(%arg7 : memref<13312xf32, #tpu.memory_space<vmem>>) target(%dma_start3A_16 : memref<42860544xf32, #tpu.memory_space<hbm>>) offsets(%arg6 : memref<13312xi32, #tpu.memory_space<vmem>>) semaphore(%arg8 : memref<!tpu.dma_semaphore, #tpu.memory_space<semaphore_mem>>)
    %dma_wait3A = arith.constant 0 : i32
    %dma_wait3A_17 = tpu.memref_slice %arg4[%dma_wait3A] : memref<42860544xf32, #tpu.memory_space<hbm>> -> memref<42860544xf32, #tpu.memory_space<hbm>>
    tpu.wait_indirect_dma semaphore(%arg8 : memref<!tpu.dma_semaphore, #tpu.memory_space<semaphore_mem>>) src(%arg7 : memref<13312xf32, #tpu.memory_space<vmem>>) dst(%dma_wait3A_17 : memref<42860544xf32, #tpu.memory_space<hbm>>)
    return
  }
}

module attributes {stable_mosaic.version = 14 : i64} {
  func.func @_finish_body(%arg0: i32, %arg1: memref<131072xf32, #tpu.memory_space<vmem>>, %arg2: memref<131072xf32, #tpu.memory_space<vmem>>, %arg3: memref<131072xf32, #tpu.memory_space<vmem>>, %arg4: memref<131072xf32, #tpu.memory_space<vmem>>, %arg5: memref<8x16384xf32, #tpu.memory_space<vmem>>) attributes {dimension_semantics = [#tpu.dimension_semantics<arbitrary>], iteration_bounds = array<i64: 327>, scalar_prefetch = 0 : i64, scratch_operands = 0 : i64, tpu.core_type = #tpu.core_type<tc>, window_params = [{transform_indices = @transform_0, window_bounds = array<i64: 131072>}, {transform_indices = @transform_1, window_bounds = array<i64: 131072>}, {transform_indices = @transform_2, window_bounds = array<i64: 131072>}, {transform_indices = @transform_3, window_bounds = array<i64: 131072>}, {transform_indices = @transform_4, window_bounds = array<i64: 8, 16384>}]} {
    %get3A = arith.constant 0 : index
    %get3A_0 = vector.load %arg1[%get3A] : memref<131072xf32, #tpu.memory_space<vmem>>, vector<131072xf32>
    %reshape3A = vector.shape_cast %get3A_0 : vector<131072xf32> to vector<8x16384xf32>
    %get3A_1 = arith.constant 0 : index
    %get3A_2 = vector.load %arg2[%get3A_1] : memref<131072xf32, #tpu.memory_space<vmem>>, vector<131072xf32>
    %reshape3A_3 = vector.shape_cast %get3A_2 : vector<131072xf32> to vector<8x16384xf32>
    %get3A_4 = arith.constant 0 : index
    %get3A_5 = vector.load %arg3[%get3A_4] : memref<131072xf32, #tpu.memory_space<vmem>>, vector<131072xf32>
    %reshape3A_6 = vector.shape_cast %get3A_5 : vector<131072xf32> to vector<8x16384xf32>
    %get3A_7 = arith.constant 0 : index
    %get3A_8 = vector.load %arg4[%get3A_7] : memref<131072xf32, #tpu.memory_space<vmem>>, vector<131072xf32>
    %reshape3A_9 = vector.shape_cast %get3A_8 : vector<131072xf32> to vector<8x16384xf32>
    %sub3A = arith.subf %reshape3A_3, %reshape3A_6 : vector<8x16384xf32>
    %mul3A = arith.mulf %reshape3A_9, %sub3A : vector<8x16384xf32>
    %mul3A_10 = arith.constant 0.333333343 : f32
    %mul3A_11 = vector.broadcast %mul3A_10 : f32 to vector<8x16384xf32>
    %mul3A_12 = arith.mulf %mul3A, %mul3A_11 : vector<8x16384xf32>
    %integer_pow3A = arith.mulf %mul3A_12, %mul3A_12 : vector<8x16384xf32>
    %add3A = arith.constant 1.000000e+00 : f32
    %add3A_13 = vector.broadcast %add3A : f32 to vector<8x16384xf32>
    %add3A_14 = arith.addf %add3A_13, %integer_pow3A : vector<8x16384xf32>
    %sqrt3A = math.sqrt %add3A_14 : vector<8x16384xf32>
    %div3A = arith.divf %mul3A, %sqrt3A : vector<8x16384xf32>
    %mul3A_15 = arith.constant 8 : i32
    %mul3A_16 = arith.muli %arg0, %mul3A_15 : i32
    %iota3A = tpu.iota {dimensions = array<i32: 0>} : vector<8x16384xi32>
    %add3A_17 = vector.broadcast %mul3A_16 : i32 to vector<8x16384xi32>
    %add3A_18 = arith.addi %add3A_17, %iota3A : vector<8x16384xi32>
    %ge3A = arith.constant 2600 : i32
    %ge3A_19 = vector.broadcast %ge3A : i32 to vector<8x16384xi32>
    %ge3A_20 = arith.cmpi sge, %add3A_18, %ge3A_19 : vector<8x16384xi32>
    %lt3A = arith.constant 2613 : i32
    %lt3A_21 = vector.broadcast %lt3A : i32 to vector<8x16384xi32>
    %lt3A_22 = arith.cmpi slt, %add3A_18, %lt3A_21 : vector<8x16384xi32>
    %and3A = arith.andi %ge3A_20, %lt3A_22 : vector<8x16384xi1>
    %select_n3A = arith.select %and3A, %div3A, %reshape3A : vector<8x16384xi1>, vector<8x16384xf32>
    %swap3A = arith.constant 0 : index
    %swap3A_23 = arith.constant 0 : index
    %swap3A_24 = vector.load %arg5[%swap3A, %swap3A_23] : memref<8x16384xf32, #tpu.memory_space<vmem>>, vector<8x16384xf32>
    tpu.vector_store %arg5[%swap3A, %swap3A_23], %select_n3A {strides = array<i32>} : memref<8x16384xf32, #tpu.memory_space<vmem>>, vector<8x16384xf32>,
    return
  }
  func.func @transform_0(%arg0: i32) -> i32 {
    %c0_i32 = arith.constant 0 : i32
    return %arg0 : i32
  }
  func.func @transform_1(%arg0: i32) -> i32 {
    %sub3A = arith.constant 325 : i32
    %sub3A_0 = arith.subi %arg0, %sub3A : i32
    %max3A = arith.constant 0 : i32
    %max3A_1 = arith.maxsi %sub3A_0, %max3A : i32
    %c0_i32 = arith.constant 0 : i32
    return %max3A_1 : i32
  }
  func.func @transform_2(%arg0: i32) -> i32 {
    %sub3A = arith.constant 325 : i32
    %sub3A_0 = arith.subi %arg0, %sub3A : i32
    %max3A = arith.constant 0 : i32
    %max3A_1 = arith.maxsi %sub3A_0, %max3A : i32
    %c0_i32 = arith.constant 0 : i32
    return %max3A_1 : i32
  }
  func.func @transform_3(%arg0: i32) -> i32 {
    %sub3A = arith.constant 325 : i32
    %sub3A_0 = arith.subi %arg0, %sub3A : i32
    %max3A = arith.constant 0 : i32
    %max3A_1 = arith.maxsi %sub3A_0, %max3A : i32
    %c0_i32 = arith.constant 0 : i32
    return %max3A_1 : i32
  }
  func.func @transform_4(%arg0: i32) -> (i32, i32) {
    %c0_i32 = arith.constant 0 : i32
    %c0_i32_0 = arith.constant 0 : i32
    return %arg0, %c0_i32 : i32, i32
  }
}

</mosaic_0001>

<sc_bundles>
// kernel: kernel.4.cloned.1.call-start
scs
__scs_entry_jumppad:
0x0: {  	(pc) =	sbr.rel $0x88, $3  }
0x1: {  	(tag) =	ssettag $0x0;
	lr =	simm.s32 $0x1  }
0x2: {  	[smem:$0x3F9D] =	sst lr;
	_ =	strace $0xD0000000  }
0x3: {  	_ = 	snop  }
0x4: {  	_ = 	snop  }
0x5: {  	_ = 	snop  }
0x6: {  	_ = 	snop  }
0x7: {  	_ = 	snop  }
__scs_overlays_trampoline_lowered:
0x8: {  	[smem:$0x3FAC] =	sst s0  }
0x9: {  	[smem:$0x3FAD] =	sst s1  }
0xa: {  	[smem:$0x3FAE] =	sst s2  }
0xb: {  	[smem:$0x3FAF] =	sst s3  }
0xc: {  	[smem:$0x3FB0] =	sst s4  }
0xd: {  	[smem:$0x3FB1] =	sst s5  }
0xe: {  	[smem:$0x3FB2] =	sst s6  }
0xf: {  	[smem:$0x3FB3] =	sst s7  }
0x10: {  	[smem:$0x3FB4] =	sst s8  }
0x11: {  	[smem:$0x3FB5] =	sst s9;
	s0 =	simm.s32 @!p0 $0x0  }
0x12: {  	s1 =	sld [smem:$0x3F9B];
	s0 =	simm.s32 @p0 $0x1  }
0x13: {  	[smem:$0x3FB6] =	sst s0;
	s0 =	simm.s32 @!p1 $0x0  }
0x14: {  	s2 =	sld [smem:$0x3F9A];
	s0 =	simm.s32 @p1 $0x1  }
0x15: {  	[smem:$0x3FB7] =	sst s0;
	s0 =	simm.s32 @!p2 $0x0  }
0x16: {  	s3 =	sld [smem:$0x3FDB];
	s0 =	simm.s32 @p2 $0x1  }
0x17: {  	s4 =	simm.s32 $0x1BF5;
	[smem:$0x3FB9] =	sst s0  }
0x18: {  	s0 =	sld [smem:$0x3F9C];
	_ =	swait.ge [sflag:s4], $0x0  }
0x19: {  	s7 =	sld [smem:$0x3F9D]  }
0x1a: {  	s8 =	sadd.s32 $0xFFFFE003, lr  }
0x1b: {  	s9 =	sadd.s32 $0xFFFFFEF7, lr;
	s5 =	simm.s32 $0xFFFFFFFF;
	p2 =	slt.u32 s8, $0xFFFFF086  }
0x1c: {  	p1 =	slt.u32 s9, $0xF7A;
	s5 =	simm.s32 @!p2 $0x0  }
0x1d: {  	s5 =	simm.s32 @p1 $0x1;
	p0 =	seq.s32 s7, s2  }
0x1e: {  	s7 =	smul.u32 @!p0 $0xF7A, s2;
	p2 =	seq.s32 @!p0 s5, $0x0  }
0x1f: {  	s9 =	smul.u32 $0xF7A, s1;
	s8 =	simm.s32 @!p0 $0x1BF5;
	p2 =	por !p2, p0  }
0x20: {  	[sflag:s8] =	ssyncset.s32 @!p0 $0xFFFFF086;
	s6 =	sadd.s32 @!p0 s3, s7;
	s7 =	simm.s32 @!p0 $0x108  }
0x21: {  	s3 =	sadd.s32 s3, s9;
	s6 =	sadd.s32 @!p0 $0x88, s6;
	s7 =	simm.s32 @p2 $0x1082  }
0x22: {  	[simem:s7], [sflag:s8] =	dma.local @!p0 [hbm:s6], $0xF7A  }
0x23: {  	s9 =	sor.u32 $0xD0000000, s2;
	s6 =	simm.s32 $0x108;
	_ =	swait.ge @!p0 [sflag:s8], $0x0  }
0x24: {  	s3 =	sadd.s32 $0x88, s3;
	s6 =	simm.s32 @!p1 $0x1082;
	[sflag:s4] =	ssyncset.s32 $0xFFFFF086  }
0x25: {  	[simem:s6], [sflag:s4] =	dma.local [hbm:s3], $0xF7A  }
0x26: {  	[smem:$0x3F9D] =	sst s1;
	(tag) =	ssettag s2;
	_ =	strace s9  }
0x27: {  	s1 =	sld [smem:$0x3FAD]  }
0x28: {  	s2 =	sld [smem:$0x3FAE]  }
0x29: {  	s4 =	sld [smem:$0x3FB0]  }
0x2a: {  	p0 =	seq.s32 s5, $0x0;
	s5 =	sld [smem:$0x3FB1]  }
0x2b: {  	s6 =	sld [smem:$0x3FB2]  }
0x2c: {  	s7 =	sld [smem:$0x3FB3]  }
0x2d: {  	s3 =	simm.s32 $0x108;
	s8 =	sld [smem:$0x3FB4]  }
0x2e: {  	s3 =	simm.s32 @!p0 $0x1082;
	s9 =	sld [smem:$0x3FB5]  }
0x2f: {  	lr =	sadd.s32 s0, s3;
	s0 =	sld [smem:$0x3FAC]  }
0x30: {  	s3 =	sld [smem:$0x3FAF]  }
0x31: {  	[smem:$0x3FB8] =	sst s10  }
0x32: {  	s10 =	sld [smem:$0x3FB6];
	_ =	sdelay $0x3  }
0x33: {  	p0 =	seq.s32 s10, $0x1;
	s10 =	sld [smem:$0x3FB8];
	_ =	sdelay $0x3  }
0x34: {  	[smem:$0x3FB8] =	sst s10  }
0x35: {  	s10 =	sld [smem:$0x3FB7];
	_ =	sdelay $0x3  }
0x36: {  	p1 =	seq.s32 s10, $0x1;
	s10 =	sld [smem:$0x3FB8];
	_ =	sdelay $0x3  }
0x37: {  	[smem:$0x3FB8] =	sst s10  }
0x38: {  	s10 =	sld [smem:$0x3FB9]  }
0x39: {  	_ = 	snop;
	(pc) =	sbr.ind lr, $3  }
0x3a: {  	_ = 	snop  }
0x3b: {  	_ = 	snop  }
0x3c: {  	p2 =	seq.s32 s10, $0x1;
	s10 =	sld [smem:$0x3FB8]  }
0x3d: {  	_ =	shalt  }
0x3e: {  	_ =	shalt  }
0x3f: {  	_ =	shalt  }
0x40: {  	_ =	shalt  }
0x41: {  	_ =	shalt  }
0x42: {  	_ =	shalt  }
0x43: {  	_ =	shalt  }
0x44: {  	_ =	shalt  }
0x45: {  	_ =	shalt  }
0x46: {  	_ =	shalt  }
0x47: {  	_ =	shalt  }
0x48: {  	_ =	shalt  }
0x49: {  	_ =	shalt  }
0x4a: {  	_ =	shalt  }
0x4b: {  	_ =	shalt  }
0x4c: {  	_ =	shalt  }
0x4d: {  	_ =	shalt  }
0x4e: {  	_ =	shalt  }
0x4f: {  	_ =	shalt  }
0x50: {  	_ =	shalt  }
0x51: {  	_ =	shalt  }
0x52: {  	_ =	shalt  }
0x53: {  	_ =	shalt  }
0x54: {  	_ =	shalt  }
0x55: {  	_ =	shalt  }
0x56: {  	_ =	shalt  }
0x57: {  	_ =	shalt  }
0x58: {  	_ =	shalt  }
0x59: {  	_ =	shalt  }
0x5a: {  	_ =	shalt  }
0x5b: {  	_ =	shalt  }
0x5c: {  	_ =	shalt  }
0x5d: {  	_ =	shalt  }
0x5e: {  	_ =	shalt  }
0x5f: {  	_ =	shalt  }
0x60: {  	_ =	shalt  }
0x61: {  	_ =	shalt  }
0x62: {  	_ =	shalt  }
0x63: {  	_ =	shalt  }
0x64: {  	_ =	shalt  }
0x65: {  	_ =	shalt  }
0x66: {  	_ =	shalt  }
0x67: {  	_ =	shalt  }
0x68: {  	_ =	shalt  }
0x69: {  	_ =	shalt  }
0x6a: {  	_ =	shalt  }
0x6b: {  	_ =	shalt  }
0x6c: {  	_ =	shalt  }
0x6d: {  	_ =	shalt  }
0x6e: {  	_ =	shalt  }
0x6f: {  	_ =	shalt  }
0x70: {  	_ =	shalt  }
0x71: {  	_ =	shalt  }
0x72: {  	_ =	shalt  }
0x73: {  	_ =	shalt  }
0x74: {  	_ =	shalt  }
0x75: {  	_ =	shalt  }
0x76: {  	_ =	shalt  }
0x77: {  	_ =	shalt  }
0x78: {  	_ =	shalt  }
0x79: {  	_ =	shalt  }
0x7a: {  	_ =	shalt  }
0x7b: {  	_ =	shalt  }
0x7c: {  	_ =	shalt  }
0x7d: {  	_ =	shalt  }
0x7e: {  	_ =	shalt  }
0x7f: {  	_ =	shalt  }
0x80: {  	_ =	shalt  }
0x81: {  	_ =	shalt  }
0x82: {  	_ =	shalt  }
0x83: {  	_ =	shalt  }
0x84: {  	_ =	shalt  }
0x85: {  	_ =	shalt  }
0x86: {  	_ =	shalt  }
0x87: {  	_ =	shalt  }
.Lfunc_end0:
.L_simem_size_0:
called_computation_lowered:
.L_overlay_start_0:
0x88: {  	s2 =	sld [smem:$0x3FD9]  }
0x89: {  	s3 =	sld [smem:$0x3FFE];
	_ =	sdelay $0x1  }
0x8a: {  	s1 =	srdreg.scid  }
0x8b: {  	s0 =	sand.u32 $0x1, s1  }
0x8c: {  	s17 =	sshll.u32 s0, $0xA;
	s2 =	sadd.s32 s3, s2  }
0x8d: {  	s2 =	sadd.s32 s2, s17  }
0x8e: {  	[smem:$0x3FC4] =	sst s2  }
0x8f: {  	_ = 	snop  }
0x90: {  	s2 =	sld [smem:$0x3FD0];
	(tm) =	ssettm $0x1  }
0x91: {  	s18 =	sld [smem:$0x3FFB];
	_ =	sdelay $0x3  }
0x92: {  	_ =	strace s18  }
0x93: {  	s3 =	sld [smem:$0x3FFC];
	_ =	sdelay $0x3  }
0x94: {  	_ =	strace s3  }
0x95: {  	s3 =	sld [smem:$0x3FFD];
	_ =	sdelay $0x3  }
0x96: {  	_ =	strace s3  }
0x97: {  	_ =	strace $0x8FFFFFFF  }
0x98: {  	s19 =	sld [smem:$0x3FDB];
	_ =	sdelay $0x1  }
0x99: {  	s4 =	simm.s32 $_scs_section_size  }
0x9a: {  	s5 =	simm.s32 $_size__tile_overlayer_lowered;
	s6 =	simm.s32 $_tile_overlayer_lowered  }
0x9b: {  	s22 =	simm.s32 $0x1BFF;
	s21 =	sshll.u32 s6, $0x1;
	s3 =	sadd.s32 s4, s19  }
0x9c: {  	s7 =	simm.s32 $0x0;
	s20 =	sshll.u32 s5, $0x1;
	s5 =	sadd.s32 s21, s3  }
0x9d: {  	[timem:s7], [sflag:s22] =	dma.local [hbm:s5], s20  }
0x9e: {  	_ =	swait.ge [sflag:s22], s20  }
0x9f: {  	s4 =	ssub.s32 $0x0, s20;
	[sflag:s22] =	ssyncset.done $0x0  }
0xa0: {  	[sflag:s22] =	ssyncadd.s32 s4;
	_ =	sdelay $0x1  }
0xa1: {  	s23 =	simm.s32 $0x1B8B  }
0xa2: {  	_ =	swait.ge [sflag:s23], $0x1  }
0xa3: {  	[sflag:s23] =	ssyncset.done $0x0  }
0xa4: {  	s25 =	simm.s32 $0x1B8E;
	s24 =	sld [smem:$0x3FFE];
	[sflag:s23] =	ssyncadd.s32 $0xFFFFFFFF  }
0xa5: {  	s26 =	simm.s32 $execute0_lowered;
	[smem:$0x3FD2] =	sst s25  }
0xa6: {  	s5 =	sshll.u32 s26, $0x1;
	_ =	strace $0x80000046;
	[dreg:$0x1] =	wrdreg $0xFFFFFFFF  }
0xa7: {  	s28 =	simm.s32 $_size_execute0_lowered;
	s3 =	sadd.s32 s3, s5;
	[dreg:$0x0] =	wrdreg $0x0  }
0xa8: {  	s5 =	sshll.u32 s28, $0x1;
	[dreg:$0x2] =	wrdreg s3  }
0xa9: {  	[dreg:$0x3] =	wrdreg s5  }
0xaa: {  	[dreg:$0x4] =	wrdreg $0xC0  }
0xab: {  	_ =	task [dreg:s7], $0x5FFFF  }
0xac: {  	[dreg:$0x1] =	wrdreg $0xFFFFFFFF  }
0xad: {  	[dreg:$0x0] =	wrdreg $0x60  }
0xae: {  	[dreg:$0x2] =	wrdreg s2  }
0xaf: {  	[dreg:$0x3] =	wrdreg s24  }
0xb0: {  	[dreg:$0x4] =	wrdreg $0x9  }
0xb1: {  	_ =	task.clear_ibuf [dreg:s7], $0x5FFFF;
	_ =	strace $0x90000046  }
0xb2: {  	s29 =	simm.s32 $0x9;
	_ =	strace $0x80000048  }
0xb3: {  	_ =	swait.ge [sflag:s29], $0x1  }
0xb4: {  	[sflag:s29] =	ssyncadd.s32 $0xFFFFFFFF  }
0xb5: {  	_ =	strace $0x90000048  }
0xb6: {  	_ =	sfence  }
0xb7: {  	s30 =	sld [smem:$0x0];
	_ =	sdelay $0x2  }
0xb8: {  	s31 =	sshll.u32 s1, $0xD;
	s1 =	sshrl.u32 s1, $0x2  }
0xb9: {  	s3 =	sand.u32 $0x4000, s31;
	s1 =	sadd.s32 s1, s30  }
0xba: {  	s0 =	sor.u32 s3, s0;
	s1 =	sshll.u32 s1, $0x11  }
0xbb: {  	s0 =	sor.u32 s1, s0  }
0xbc: {  	s0 =	sadd.s32 $0x8F2B, s0  }
0xbd: {  	[sflag:s0] =	ssyncadd.remote.s32 $0x1  }
0xbe: {  	_ =	sfence.sel $0xFFFF  }
0xbf: {  	[dreg:$0x0] =	wrdreg $0xFFFFFFFF;
	(pc) =	sbr.abs _section_cstart, $3  }
0xc0: {  	[dreg:$0x1] =	wrdreg $0xFFFFFFFF  }
0xc1: {  	_ =	task.clear_ibuf [dreg:s7], $0x2FFFF;
	_ =	strace $0x9FFFFFFF  }
0xc2: {  	(tm) =	ssettm $0x7FFFFFFF  }
0xc3: {  	_ =	shalt  }
tec
execute0_lowered:
.L_overlay_start_1:
0x0: {  	(tag) =	ssettag $0x1  }
0x1: {  	s5 =	rddreg [dreg:$0x0]  }
0x2: {  	s1 =	srdreg.scid;
	s0 =	stileid.u32  }
0x3: {  	s3 =	rddreg [dreg:$0x1];
	s2 =	simm.s32 $0x0;
	s9 =	simm.s32 $0x3400  }
0x4: {  	s10 =	simm.s32 $0x6800;
	s4 =	sand.u32 $0x1, s1;
	s6 =	sshll.u32 s0, $0x1  }
0x5: {  	s11 =	simm.s32 $0x0;
	s1 =	rddreg [dreg:$0x2];
	s6 =	sor.u32 s4, s6  }
0x6: {  	v1 =	vlaneseq.u32;
	[smem:$0x7FF] =	sst s2;
	s4 =	ssub.s32 $0x2, s4;
	s7 =	smul.u32 $0x680, s6  }
0x7: {  	s3 =	sadd.s32 $0xA00, s3;
	v0 =	vmul.u32 $0x190000, v1;
	_ =	strace $0x80000047;
	s8 =	sshrl.u32 s4, $0x1  }
0x8: {  	s8 =	ssub.s32 s4, s8;
	s4 =	sshll.u32 s6, $0x9;
	s5 =	sadd.s32 s5, s7  }
0x9: {  	v3 =	vimm.f32 $1.000000000e+00;
	v1 =	vadd.s32 $0x1, v1;
	v2 =	vadd.s32 $0xFD760001, v0;
	s6 =	smax.u32 s8, $0x1;
	s7 =	simm.s32 $0x2;
	s8 =	simm.s32 $0x1  }
.LBB2_1:
0xa: {  	[tilespmem:s2], [sflag:$0x2] =	stream.linear.gather [hbm4b:s5+s2], $0x3400, $0x38;
	[tilespmem:$0x9C00] =	vst v63  }
0xb: {  	_ =	swait.ge [sflag:s7], $0x3400  }
0xc: {  	[sflag:s7] =	ssyncset.done $0x0  }
0xd: {  	s12 =	simm.s32 $0x0;
	[sflag:s7] =	ssyncadd.s32 $0xFFFFCC00  }
0xe: {  	v4 =	vld [tilespmem:s12+$0x0]  }
0xf: {  	s13 =	simm.s32 $0x1A;
	p0 =	por $0x0, $0x0;
	s14 =	simm.s32 $0xFFFFFFF6  }
0x10: {  	s15 =	smul.u32 $0x190000, s2;
	v5 =	vmov s13;
	s13 =	simm.s32 $0x1;
	s14 =	simm.s32 @!p0 $0x10  }
0x11: {  	s16 =	sadd.s32 $0x0, s4;
	vm0 =	vlt.s32 v5, v1;
	s13 =	simm.s32 @!p0 $0x0;
	s14 =	sadd.s32 $0x0, s14  }
0x12: {  	s15 =	sadd.s32 s15, s16;
	s16 =	simm.s32 $0xFFFFFFF6;
	v6 =	vsel vm0, v2, v0;
	s17 =	sadd.s32 $0x10, s14;
	v5 =	vld [tilespmem:s12+$0x10]  }
0x13: {  	s13 =	sadd.s32 $0x0, s13;
	s18 =	ssub.s32 $0x1A, s14;
	v6 =	vadd.s32 s15, v6;
	p0 =	sgt.s32 s17, $0x19;
	v4 =	vshll.u32 v4, $0xE  }
0x14: {  	s17 =	smul.u32 $0x190000, s14;
	s15 =	simm.s32 $0x1;
	s16 =	simm.s32 @!p0 $0x10;
	v4 =	vadd.s32 v4, v6;
	v6 =	vmov s18  }
0x15: {  	s15 =	simm.s32 @!p0 $0x0;
	s14 =	sadd.s32 s14, s16;
	s18 =	sadd.s32 s4, s13;
	vm10 =	vlt.s32 v6, v1  }
0x16: {  	s16 =	simm.s32 $0x1;
	s20 =	sadd.s32 $0x10, s14;
	[tilespmem:s12+$0x3400] =	vst v4;
	s19 =	sadd.s32 s17, s18;
	v6 =	vld [tilespmem:s12+$0x20];
	v4 =	vsel vm10, v2, v0  }
0x17: {  	s21 =	ssub.s32 $0x1A, s14;
	s22 =	smul.u32 $0x190000, s14;
	p0 =	sgt.s32 s20, $0x19;
	v5 =	vshll.u32 v5, $0xE;
	v4 =	vadd.s32 s19, v4  }
0x18: {  	s16 =	simm.s32 @!p0 $0x0;
	s13 =	sadd.s32 s15, s13;
	s15 =	simm.s32 $0xFFFFFFF6;
	v4 =	vadd.s32 v5, v4;
	v5 =	vmov s21  }
0x19: {  	s15 =	simm.s32 @!p0 $0x10;
	s23 =	sadd.s32 s4, s13;
	s13 =	sadd.s32 s16, s13;
	vm11 =	vlt.s32 v5, v1  }
0x1a: {  	s16 =	simm.s32 $0xFFFFFFF6;
	s14 =	sadd.s32 s14, s15;
	s24 =	sadd.s32 s22, s23;
	[tilespmem:s12+$0x3410] =	vst v4;
	v5 =	vld [tilespmem:s12+$0x30];
	v4 =	vsel vm11, v2, v0  }
0x1b: {  	s25 =	sadd.s32 $0x10, s14;
	s26 =	ssub.s32 $0x1A, s14;
	s28 =	smul.u32 $0x190000, s14;
	v6 =	vshll.u32 v6, $0xE;
	v4 =	vadd.s32 s24, v4  }
0x1c: {  	s15 =	simm.s32 $0x1;
	s29 =	sadd.s32 s4, s13;
	p0 =	sgt.s32 s25, $0x19;
	v4 =	vadd.s32 v6, v4;
	v6 =	vmov s26  }
0x1d: {  	s16 =	simm.s32 @!p0 $0x10;
	s15 =	simm.s32 @!p0 $0x0;
	s30 =	sadd.s32 s28, s29;
	vm12 =	vlt.s32 v6, v1  }
0x1e: {  	s14 =	sadd.s32 s14, s16;
	s13 =	sadd.s32 s15, s13;
	s15 =	simm.s32 $0xFFFFFFF6;
	[tilespmem:s12+$0x3420] =	vst v4;
	v6 =	vld [tilespmem:s12+$0x40];
	v4 =	vsel vm12, v2, v0  }
0x1f: {  	s31 =	sadd.s32 $0x10, s14;
	s17 =	ssub.s32 $0x1A, s14;
	s18 =	smul.u32 $0x190000, s14;
	v5 =	vshll.u32 v5, $0xE;
	v4 =	vadd.s32 s30, v4  }
0x20: {  	[tilespmem:s12+$0x6800] =	vst v3;
	s16 =	simm.s32 $0x1;
	s19 =	sadd.s32 s4, s13;
	p0 =	sgt.s32 s31, $0x19;
	v4 =	vadd.s32 v5, v4;
	v5 =	vmov s17  }
0x21: {  	[tilespmem:s12+$0x6810] =	vst v3;
	s15 =	simm.s32 @!p0 $0x10;
	s16 =	simm.s32 @!p0 $0x0;
	s20 =	sadd.s32 s18, s19;
	vm13 =	vlt.s32 v5, v1  }
0x22: {  	s19 =	simm.s32 $0xFFFFFFF6;
	s14 =	sadd.s32 s14, s15;
	s13 =	sadd.s32 s16, s13;
	[tilespmem:s12+$0x3430] =	vst v4;
	v5 =	vld [tilespmem:s12+$0x50];
	v4 =	vsel vm13, v2, v0  }
0x23: {  	[tilespmem:s12+$0x6820] =	vst v3;
	s16 =	simm.s32 $0xFFFFFFF6;
	s21 =	sadd.s32 $0x10, s14;
	s22 =	ssub.s32 $0x1A, s14;
	v6 =	vshll.u32 v6, $0xE;
	v4 =	vadd.s32 s20, v4  }
0x24: {  	[tilespmem:s12+$0x6830] =	vst v3;
	s15 =	simm.s32 $0x1;
	s23 =	smul.u32 $0x190000, s14;
	p0 =	sgt.s32 s21, $0x19;
	v4 =	vadd.s32 v6, v4;
	v6 =	vmov s22  }
0x25: {  	[tilespmem:s12+$0x6840] =	vst v3;
	s24 =	sadd.s32 s4, s13;
	s17 =	simm.s32 $0x1;
	s16 =	simm.s32 @!p0 $0x10;
	vm14 =	vlt.s32 v6, v1  }
0x26: {  	s15 =	simm.s32 @!p0 $0x0;
	s25 =	sadd.s32 s23, s24;
	s14 =	sadd.s32 s14, s16;
	[tilespmem:s12+$0x3440] =	vst v4;
	v6 =	vld [tilespmem:s12+$0x60];
	v4 =	vsel vm14, v2, v0  }
0x27: {  	[tilespmem:s12+$0x6850] =	vst v3;
	s15 =	sadd.s32 s15, s13;
	s26 =	ssub.s32 $0x1A, s14;
	s29 =	sadd.s32 $0x10, s14;
	v5 =	vshll.u32 v5, $0xE;
	v4 =	vadd.s32 s25, v4  }
0x28: {  	[tilespmem:s12+$0x6860] =	vst v3;
	s13 =	simm.s32 $0x80;
	s28 =	smul.u32 $0x190000, s14;
	p0 =	sgt.s32 s29, $0x19;
	v4 =	vadd.s32 v5, v4;
	v5 =	vmov s26  }
0x29: {  	[tilespmem:s12+$0x6870] =	vst v3;
	s30 =	sadd.s32 s4, s15;
	s17 =	simm.s32 @!p0 $0x0;
	s19 =	simm.s32 @!p0 $0x10;
	vm15 =	vlt.s32 v5, v1  }
0x2a: {  	s18 =	sadd.s32 s28, s30;
	s15 =	sadd.s32 s17, s15;
	s16 =	sadd.s32 s14, s19;
	[tilespmem:s12+$0x3450] =	vst v4;
	v5 =	vsel vm15, v2, v0  }
0x2b: {  	s14 =	simm.s32 $0x400;
	s31 =	ssub.s32 $0x1A, s16;
	s19 =	sadd.s32 $0x10, s16;
	v4 =	vld [tilespmem:s12+$0x70];
	[tilespmem:s13+$0x6800] =	vst v3;
	v6 =	vshll.u32 v6, $0xE;
	v5 =	vadd.s32 s18, v5  }
0x2c: {  	s17 =	smul.u32 $0x190000, s16;
	p1 =	sgt.s32 s19, $0x19;
	[tilespmem:s13+$0x6810] =	vst v3;
	s18 =	sadd.s32 s4, s15;
	v6 =	vadd.s32 v6, v5;
	v5 =	vmov s31  }
.LBB2_2:
0x2d: {  	s20 =	simm.s32 $0xFFFFFFF6  }
0x2e: {  	p0 =	sne.s32 s14, $0xCE00;
	s19 =	simm.s32 $0x1;
	s20 =	simm.s32 @!p1 $0x10  }
0x2f: {  	[tilespmem:s12+$0x3460] =	vst v6;
	vm0 =	vlt.s32 v5, v1;
	s17 =	sadd.s32 s17, s18;
	s19 =	simm.s32 @!p1 $0x0;
	s16 =	sadd.s32 s16, s20  }
0x30: {  	v6 =	vsel vm0, v2, v0;
	v5 =	vld [tilespmem:s13+$0x0];
	s15 =	sadd.s32 s19, s15;
	s19 =	smul.u32 $0x190000, s16;
	s20 =	sadd.s32 $0x10, s16  }
0x31: {  	[tilespmem:s13+$0x6820] =	vst v3;
	v6 =	vadd.s32 s17, v6;
	s18 =	ssub.s32 $0x1A, s16;
	s17 =	sadd.s32 s4, s15;
	p1 =	sgt.s32 s20, $0x19  }
0x32: {  	v4 =	vshll.u32 v4, $0xE;
	[tilespmem:s13+$0x6830] =	vst v3;
	v7 =	vmov s18;
	s18 =	simm.s32 $0x1;
	s17 =	sadd.s32 s19, s17;
	s19 =	simm.s32 $0xFFFFFFF6  }
0x33: {  	v4 =	vadd.s32 v4, v6;
	[tilespmem:s13+$0x6840] =	vst v3;
	vm0 =	vlt.s32 v7, v1;
	s18 =	simm.s32 @!p1 $0x0;
	s19 =	simm.s32 @!p1 $0x10  }
0x34: {  	[tilespmem:s12+$0x3470] =	vst v4;
	s12 =	smov.u32 s13;
	v4 =	vsel vm0, v2, v0;
	s15 =	sadd.s32 s18, s15;
	s16 =	sadd.s32 s16, s19  }
0x35: {  	v6 =	vld [tilespmem:s13+$0x10];
	[tilespmem:s13+$0x6850] =	vst v3;
	v5 =	vshll.u32 v5, $0xE;
	v4 =	vadd.s32 s17, v4;
	s13 =	ssub.s32 $0x1A, s16;
	s17 =	smul.u32 $0x190000, s16;
	s18 =	sadd.s32 $0x10, s16  }
0x36: {  	v4 =	vadd.s32 v5, v4;
	v5 =	vmov s13;
	s13 =	sadd.s32 s4, s15;
	p1 =	sgt.s32 s18, $0x19  }
0x37: {  	[tilespmem:s12+$0x6860] =	vst v3;
	s18 =	simm.s32 $0xFFFFFFF6;
	s13 =	sadd.s32 s17, s13;
	s17 =	simm.s32 $0x1  }
0x38: {  	[tilespmem:s12+$0x6870] =	vst v3;
	vm0 =	vlt.s32 v5, v1;
	s18 =	simm.s32 @!p1 $0x10;
	s17 =	simm.s32 @!p1 $0x0  }
0x39: {  	[tilespmem:s12+$0x3400] =	vst v4;
	v4 =	vsel vm0, v2, v0;
	s16 =	sadd.s32 s16, s18;
	s15 =	sadd.s32 s17, s15  }
0x3a: {  	v5 =	vld [tilespmem:s12+$0x20];
	v6 =	vshll.u32 v6, $0xE;
	v4 =	vadd.s32 s13, v4;
	s13 =	ssub.s32 $0x1A, s16;
	s17 =	smul.u32 $0x190000, s16;
	s18 =	sadd.s32 $0x10, s16  }
0x3b: {  	v4 =	vadd.s32 v6, v4;
	v6 =	vmov s13;
	s13 =	sadd.s32 s4, s15;
	p1 =	sgt.s32 s18, $0x19  }
0x3c: {  	s18 =	simm.s32 $0xFFFFFFF6;
	s13 =	sadd.s32 s17, s13;
	s17 =	simm.s32 $0x1  }
0x3d: {  	vm0 =	vlt.s32 v6, v1;
	s18 =	simm.s32 @!p1 $0x10;
	s17 =	simm.s32 @!p1 $0x0  }
0x3e: {  	[tilespmem:s12+$0x3410] =	vst v4;
	v4 =	vsel vm0, v2, v0;
	s16 =	sadd.s32 s16, s18;
	s15 =	sadd.s32 s17, s15  }
0x3f: {  	v6 =	vld [tilespmem:s12+$0x30];
	v4 =	vadd.s32 s13, v4;
	s13 =	ssub.s32 $0x1A, s16;
	s17 =	smul.u32 $0x190000, s16;
	s18 =	sadd.s32 $0x10, s16;
	v5 =	vshll.u32 v5, $0xE  }
0x40: {  	p1 =	sgt.s32 s18, $0x19;
	s18 =	simm.s32 $0xFFFFFFF6;
	v4 =	vadd.s32 v5, v4;
	v5 =	vmov s13;
	s13 =	sadd.s32 s4, s15  }
0x41: {  	s18 =	simm.s32 @!p1 $0x10;
	vm0 =	vlt.s32 v5, v1;
	s13 =	sadd.s32 s17, s13;
	s17 =	simm.s32 $0x1  }
0x42: {  	[tilespmem:s12+$0x3420] =	vst v4;
	s16 =	sadd.s32 s16, s18;
	s17 =	simm.s32 @!p1 $0x0;
	v4 =	vsel vm0, v2, v0  }
0x43: {  	s18 =	sadd.s32 $0x10, s16;
	s15 =	sadd.s32 s17, s15;
	v5 =	vld [tilespmem:s12+$0x40];
	v4 =	vadd.s32 s13, v4;
	s13 =	ssub.s32 $0x1A, s16  }
0x44: {  	v6 =	vshll.u32 v6, $0xE;
	s17 =	smul.u32 $0x190000, s16;
	p1 =	sgt.s32 s18, $0x19;
	s18 =	simm.s32 $0xFFFFFFF6  }
0x45: {  	v4 =	vadd.s32 v6, v4;
	v6 =	vmov s13;
	s13 =	sadd.s32 s4, s15;
	s18 =	simm.s32 @!p1 $0x10  }
0x46: {  	vm0 =	vlt.s32 v6, v1;
	s13 =	sadd.s32 s17, s13;
	s17 =	simm.s32 $0x1;
	s16 =	sadd.s32 s16, s18  }
0x47: {  	[tilespmem:s12+$0x3430] =	vst v4;
	s17 =	simm.s32 @!p1 $0x0;
	v4 =	vsel vm0, v2, v0;
	s18 =	sadd.s32 $0x10, s16  }
0x48: {  	s15 =	sadd.s32 s17, s15;
	v6 =	vld [tilespmem:s12+$0x50];
	v4 =	vadd.s32 s13, v4;
	s13 =	ssub.s32 $0x1A, s16;
	s17 =	smul.u32 $0x190000, s16;
	v5 =	vshll.u32 v5, $0xE  }
0x49: {  	p1 =	sgt.s32 s18, $0x19;
	s18 =	simm.s32 $0xFFFFFFF6;
	v4 =	vadd.s32 v5, v4;
	v5 =	vmov s13;
	s13 =	sadd.s32 s4, s15  }
0x4a: {  	s18 =	simm.s32 @!p1 $0x10;
	s13 =	sadd.s32 s17, s13;
	s17 =	simm.s32 $0x1  }
0x4b: {  	s16 =	sadd.s32 s16, s18;
	[tilespmem:s12+$0x3440] =	vst v4;
	vm0 =	vlt.s32 v5, v1;
	s17 =	simm.s32 @!p1 $0x0  }
0x4c: {  	s19 =	simm.s32 $0xFFFFFFF6;
	s18 =	sadd.s32 $0x10, s16;
	v4 =	vsel vm0, v2, v0;
	s15 =	sadd.s32 s17, s15;
	v5 =	vld [tilespmem:s12+$0x60]  }
0x4d: {  	p1 =	sgt.s32 s18, $0x19;
	v6 =	vshll.u32 v6, $0xE;
	v4 =	vadd.s32 s13, v4;
	s13 =	ssub.s32 $0x1A, s16;
	s17 =	smul.u32 $0x190000, s16  }
.Ltmp0:
0x4e: {  	s18 =	simm.s32 $0x1;
	v4 =	vadd.s32 v6, v4;
	v6 =	vmov s13;
	s13 =	sadd.s32 s4, s15;
	(pc) =	sbr.rel @p0 .LBB2_2-.Ltmp0, $4  }
0x4f: {  	s18 =	simm.s32 @!p1 $0x0;
	s19 =	simm.s32 @!p1 $0x10;
	vm0 =	vlt.s32 v6, v1;
	s17 =	sadd.s32 s17, s13;
	[tilespmem:s12+$0x3450] =	vst v4  }
0x50: {  	s15 =	sadd.s32 s18, s15;
	s16 =	sadd.s32 s16, s19;
	s13 =	sshra.s32 s14, $0x2;
	v6 =	vsel vm0, v2, v0;
	v4 =	vld [tilespmem:s12+$0x70]  }
0x51: {  	s18 =	ssub.s32 $0x1A, s16;
	s19 =	sadd.s32 $0x10, s16;
	v6 =	vadd.s32 s17, v6;
	s17 =	smul.u32 $0x190000, s16;
	[tilespmem:s13+$0x6800] =	vst v3;
	v5 =	vshll.u32 v5, $0xE  }
0x52: {  	s14 =	sadd.s32 $0x200, s14;
	p1 =	sgt.s32 s19, $0x19;
	[tilespmem:s13+$0x6810] =	vst v3;
	v6 =	vadd.s32 v5, v6;
	v5 =	vmov s18;
	s18 =	sadd.s32 s4, s15  }
0x53: {  	s14 =	simm.s32 $0xFFFFFFF6  }
0x54: {  	[tilespmem:s12+$0x3460] =	vst v6;
	vm0 =	vlt.s32 v5, v1;
	s19 =	simm.s32 $0x1;
	s14 =	simm.s32 @!p1 $0x10  }
0x55: {  	s17 =	sadd.s32 s17, s18;
	s19 =	simm.s32 @!p1 $0x0;
	[tilespmem:s13+$0x6820] =	vst v3;
	v51 =	vsel vm0, v2, v0;
	s14 =	sadd.s32 s16, s14  }
0x56: {  	[tilespmem:s13+$0x6830] =	vst v3;
	s15 =	sadd.s32 s19, s15;
	v4 =	vshll.u32 v4, $0xE;
	v6 =	vadd.s32 s17, v51;
	s19 =	sadd.s32 $0x10, s14  }
0x57: {  	s18 =	simm.s32 $0xFFFFFFF6;
	[tilespmem:s13+$0x6840] =	vst v3;
	v4 =	vadd.s32 v4, v6;
	p0 =	sgt.s32 s19, $0x19  }
0x58: {  	v5 =	vld [tilespmem:s13+$0x0];
	s16 =	ssub.s32 $0x1A, s14;
	[tilespmem:s12+$0x3470] =	vst v4;
	s12 =	simm.s32 $0x1;
	s18 =	simm.s32 @!p0 $0x10  }
0x59: {  	s20 =	smul.u32 $0x190000, s14;
	s12 =	simm.s32 @!p0 $0x0;
	s14 =	sadd.s32 s14, s18  }
0x5a: {  	s19 =	sadd.s32 s4, s15;
	v4 =	vmov s16;
	s12 =	sadd.s32 s12, s15;
	s23 =	sadd.s32 $0x10, s14  }
0x5b: {  	vm8 =	vlt.s32 v4, v1;
	s15 =	simm.s32 $0xFFFFFFF6;
	s22 =	ssub.s32 $0x1A, s14;
	p0 =	sgt.s32 s23, $0x19  }
0x5c: {  	s21 =	sadd.s32 s20, s19;
	v52 =	vld [tilespmem:s13+$0x10];
	v4 =	vsel vm8, v2, v0;
	s18 =	smul.u32 $0x190000, s14;
	v7 =	vmov s22;
	s15 =	simm.s32 @!p0 $0x10  }
0x5d: {  	s17 =	simm.s32 $0x1;
	v5 =	vshll.u32 v5, $0xE;
	v4 =	vadd.s32 s21, v4;
	s24 =	sadd.s32 s4, s12;
	vm9 =	vlt.s32 v7, v1;
	s14 =	sadd.s32 s14, s15  }
0x5e: {  	s19 =	simm.s32 $0x1;
	v4 =	vadd.s32 v5, v4;
	s16 =	sadd.s32 s18, s24;
	v5 =	vsel vm9, v2, v0;
	s25 =	sadd.s32 $0x10, s14  }
0x5f: {  	s17 =	simm.s32 @!p0 $0x0;
	v5 =	vadd.s32 s16, v5;
	s16 =	simm.s32 $0xFFFFFFF6;
	p0 =	sgt.s32 s25, $0x19  }
0x60: {  	s12 =	sadd.s32 s17, s12;
	s17 =	simm.s32 $0x1;
	s16 =	simm.s32 @!p0 $0x10  }
0x61: {  	v53 =	vld [tilespmem:s13+$0x20];
	[tilespmem:s13+$0x3400] =	vst v4;
	v4 =	vshll.u32 v52, $0xE;
	s15 =	ssub.s32 $0x1A, s14;
	s26 =	smul.u32 $0x190000, s14;
	s14 =	sadd.s32 s14, s16  }
0x62: {  	s28 =	sadd.s32 s4, s12;
	v4 =	vadd.s32 v4, v5;
	s16 =	ssub.s32 $0x1A, s14;
	s30 =	sadd.s32 $0x10, s14  }
0x63: {  	v5 =	vld [tilespmem:s13+$0x30];
	[tilespmem:s13+$0x3410] =	vst v4;
	v4 =	vmov s15;
	s19 =	simm.s32 @!p0 $0x0;
	v54 =	vmov s16;
	p0 =	sgt.s32 s30, $0x19;
	s16 =	simm.s32 $0xFFFFFFF6  }
0x64: {  	vm10 =	vlt.s32 v4, v1;
	s12 =	sadd.s32 s19, s12;
	s31 =	smul.u32 $0x190000, s14;
	s16 =	simm.s32 @!p0 $0x10  }
0x65: {  	s29 =	sadd.s32 s26, s28;
	v4 =	vsel vm10, v2, v0;
	s19 =	sadd.s32 s4, s12;
	s14 =	sadd.s32 s14, s16  }
0x66: {  	v6 =	vshll.u32 v53, $0xE;
	v4 =	vadd.s32 s29, v4;
	vm11 =	vlt.s32 v54, v1;
	s15 =	sadd.s32 s31, s19;
	s17 =	simm.s32 @!p0 $0x0;
	s16 =	sadd.s32 $0x10, s14  }
0x67: {  	v4 =	vadd.s32 v6, v4;
	s19 =	simm.s32 $0x1;
	v55 =	vsel vm11, v2, v0;
	p0 =	sgt.s32 s16, $0x19;
	s16 =	simm.s32 $0xFFFFFFF6  }
0x68: {  	v56 =	vld [tilespmem:s13+$0x40];
	[tilespmem:s13+$0x3420] =	vst v4;
	s12 =	sadd.s32 s17, s12;
	v4 =	vshll.u32 v5, $0xE;
	v5 =	vadd.s32 s15, v55;
	s21 =	smul.u32 $0x190000, s14;
	s16 =	simm.s32 @!p0 $0x10  }
0x69: {  	s20 =	ssub.s32 $0x1A, s14;
	s22 =	sadd.s32 s4, s12;
	v4 =	vadd.s32 v4, v5;
	s14 =	sadd.s32 s14, s16  }
0x6a: {  	v5 =	vld [tilespmem:s13+$0x50];
	[tilespmem:s13+$0x3430] =	vst v4;
	v4 =	vmov s20;
	s23 =	sadd.s32 s21, s22;
	s16 =	ssub.s32 $0x1A, s14;
	s24 =	sadd.s32 $0x10, s14  }
0x6b: {  	s19 =	simm.s32 @!p0 $0x0;
	vm12 =	vlt.s32 v4, v1;
	v57 =	vmov s16;
	p0 =	sgt.s32 s24, $0x19;
	s16 =	simm.s32 $0xFFFFFFF6  }
0x6c: {  	s12 =	sadd.s32 s19, s12;
	v4 =	vsel vm12, v2, v0;
	s25 =	smul.u32 $0x190000, s14;
	s16 =	simm.s32 @!p0 $0x10  }
0x6d: {  	v6 =	vshll.u32 v56, $0xE;
	s26 =	sadd.s32 s4, s12;
	v4 =	vadd.s32 s23, v4;
	vm13 =	vlt.s32 v57, v1;
	s14 =	sadd.s32 s14, s16  }
0x6e: {  	v4 =	vadd.s32 v6, v4;
	s15 =	sadd.s32 s25, s26;
	v58 =	vsel vm13, v2, v0;
	s16 =	simm.s32 $0x1;
	s28 =	sadd.s32 $0x10, s14  }
0x6f: {  	[tilespmem:s13+$0x3440] =	vst v4;
	v4 =	vshll.u32 v5, $0xE;
	v5 =	vadd.s32 s15, v58;
	s16 =	simm.s32 @!p0 $0x0;
	s15 =	simm.s32 $0xFFFFFFF6;
	p0 =	sgt.s32 s28, $0x19  }
0x70: {  	v59 =	vld [tilespmem:s13+$0x60];
	s17 =	simm.s32 $0x1;
	v4 =	vadd.s32 v4, v5;
	s15 =	simm.s32 @!p0 $0x10  }
0x71: {  	s29 =	ssub.s32 $0x1A, s14;
	s12 =	sadd.s32 s16, s12;
	[tilespmem:s13+$0x3450] =	vst v4;
	v4 =	vld [tilespmem:s13+$0x70];
	s15 =	sadd.s32 s14, s15  }
0x72: {  	v5 =	vmov s29;
	s17 =	simm.s32 @!p0 $0x0;
	s14 =	smul.u32 $0x190000, s14;
	s30 =	ssub.s32 $0x1A, s15  }
0x73: {  	s31 =	sadd.s32 s4, s12;
	vm14 =	vlt.s32 v5, v1;
	s12 =	sadd.s32 s17, s12;
	s15 =	smul.u32 $0x190000, s15;
	v5 =	vmov s30  }
0x74: {  	[tilespmem:s13+$0x6850] =	vst v3;
	v60 =	vsel vm14, v2, v0;
	s12 =	sadd.s32 s4, s12;
	s14 =	sadd.s32 s14, s31;
	vm15 =	vlt.s32 v5, v1  }
0x75: {  	[tilespmem:s13+$0x6860] =	vst v3;
	v5 =	vshll.u32 v59, $0xE;
	v61 =	vadd.s32 s14, v60;
	s12 =	sadd.s32 s15, s12;
	v62 =	vsel vm15, v2, v0  }
0x76: {  	s11 =	sadd.s32 $0x1, s11;
	[tilespmem:s13+$0x6870] =	vst v3;
	v5 =	vadd.s32 v5, v61;
	v4 =	vshll.u32 v4, $0xE;
	v63 =	vadd.s32 s12, v62  }
0x77: {  	p0 =	sne.s32 s11, s6;
	[tilespmem:s13+$0x3460] =	vst v5;
	v4 =	vadd.s32 v4, v63  }
.Ltmp1:
0x78: {  	[tilespmem:s13+$0x3470] =	vst v4;
	(pc) =	sbr.rel @p0 .LBB2_1-.Ltmp1, $4  }
0x79: {  	[hbm4b:s3+s9] =	stream.indirect.scatter [tilespmem:s10], [sflag:$0x1], $0x1, s9, s9, $0xb8;
	[tilespmem:$0x9C00] =	vst v63  }
0x7a: {  	_ =	swait.ge [sflag:s8], $0x3400  }
0x7b: {  	[sflag:s8] =	ssyncset.done $0x0  }
0x7c: {  	[sflag:s8] =	ssyncadd.s32 $0xFFFFCC00  }
0x7d: {  	_ =	sfence.sel $0x180000  }
0x7e: {  	[bflag:$0x0] =	sbarrier.arrive $0xFFFF  }
0x7f: {  	p0 =	sne.s32 s0, $0x0;
	_ =	strace $0x90000047  }
0x80: {  	s0 =	sadd.s32 @!p0 $0x100000, s1;
	[bflag:$0x2] =	sbarrier.arrive $0xFFFF  }
0x81: {  	[sflag:s0] =	ssyncadd.tile.s32 @!p0 $0x1;
	_ =	shalt  }
.Lfunc_end2:
_tile_overlayer_lowered:
.L_overlay_start_2:
0x82: {  	(tag) =	ssettag $0x2  }
0x83: {  	s0 =	rddreg [dreg:$0x0];
	s2 =	stileid.u32  }
0x84: {  	s1 =	rddreg [dreg:$0x1];
	p0 =	sne.s32 s2, $0x0  }
0x85: {  	s3 =	rddreg [dreg:$0x2];
	[bflag:$0x3] =	sbarrier.arrive $0xFFFF;
	s2 =	simm.s32 @!p0 $0x1C02  }
0x86: {  	[timem:s3], [sflag:s2] =	dma.local @!p0 [hbm:s0], s1  }
0x87: {  	s0 =	simm.s32 @!p0 $0x2  }
0x88: {  	_ =	swait.ge @!p0 [sflag:s0], s1  }
0x89: {  	s1 =	ssub.s32 @!p0 $0x0, s1;
	[sflag:s0] =	ssyncset.done @!p0 $0x0  }
0x8a: {  	[sflag:s0] =	ssyncadd.s32 @!p0 s1  }
0x8b: {  	[bflag:$0x3] =	sbarrier.arrive $0xFFFF  }
0x8c: {  	_ =	shalt  }

</sc_bundles>
